<compile_context>
chip_gen: v7x
topology: tpu7x:2x2x1
jax: 0.10.2.dev20260603
libtpu: 0.0.44.dev20260713+nightly
codegen_flags: <defaults>
</compile_context>

<pallas_src>
import functools

import jax
import jax.numpy as jnp
from jax import lax
from jax.experimental import pallas as pl
from jax.experimental.pallas import tpu as pltpu
from jax.experimental.pallas import tpu_sc as plsc

_NBUF = 4
_GLA = 2
_ILA = 3


def _sc_embed(x4, table, pos, *, NW, n_ch, CH, T, D, L):
    NC = 2
    mesh = plsc.VectorSubcoreMesh(core_axis_name="c", subcore_axis_name="s")
    per_w = T // NW
    H = CH // 2

    @functools.partial(
        pl.kernel,
        mesh=mesh,
        out_type=jax.ShapeDtypeStruct((T, D), jnp.float32),
        scratch_types=(
            [pltpu.VMEM((_NBUF, 2, H), jnp.int32)]
            + [pltpu.VMEM((CH, D), jnp.float32) for _ in range(_NBUF)]
            + [pltpu.VMEM((L, D), jnp.float32)]
            + [pltpu.SemaphoreType.DMA for _ in range(3 * _NBUF)]
        ),
    )
    def k(x_hbm, tab_hbm, pos_hbm, out_hbm, idx_v, *rest):
        rows = rest[:_NBUF]
        pos_v = rest[_NBUF]
        gsem = rest[_NBUF + 1:2 * _NBUF + 1]
        osem = rest[2 * _NBUF + 1:3 * _NBUF + 1]
        isem = rest[3 * _NBUF + 1:]
        c = lax.axis_index("c")
        s = lax.axis_index("s")
        wid = s * NC + c
        pltpu.sync_copy(pos_hbm, pos_v)

        def issue_idx(g, b):
            pltpu.async_copy(x_hbm.at[wid, g], idx_v.at[b], isem[b])

        def wait_idx(b):
            pltpu.make_async_copy(x_hbm.at[wid, 0], idx_v.at[b], isem[b]).wait()

        def start_gather(b):
            pltpu.async_copy(
                tab_hbm.at[idx_v.at[b, 0]], rows[b].at[pl.ds(0, H)], gsem[b]
            )
            pltpu.async_copy(
                tab_hbm.at[idx_v.at[b, 1]], rows[b].at[pl.ds(H, H)], gsem[b]
            )

        def wait_gather(b):
            pltpu.make_async_copy(
                tab_hbm.at[idx_v.at[b, 0]], rows[b].at[pl.ds(0, H)], gsem[b]
            ).wait()
            pltpu.make_async_copy(
                tab_hbm.at[idx_v.at[b, 1]], rows[b].at[pl.ds(H, H)], gsem[b]
            ).wait()

        for b in range(_ILA):
            issue_idx(b, b)
        for b in range(_GLA):
            wait_idx(b)
            start_gather(b)

        def group(Gi, carry):
            G = Gi * _NBUF
            for b in range(_NBUF):
                g = G + b
                b2 = (b + _GLA) % _NBUF
                b3 = (b + _ILA) % _NBUF

                @pl.when(g + _GLA < n_ch)
                def _issue():
                    @pl.when(g >= _NBUF - _GLA)
                    def _drain():
                        pltpu.make_async_copy(
                            rows[b2], out_hbm.at[pl.ds(wid * per_w, CH)], osem[b2]
                        ).wait()

                    wait_idx(b2)
                    start_gather(b2)

                @pl.when(g + _ILA < n_ch)
                def _prefetch():
                    issue_idx(g + _ILA, b3)

                wait_gather(b)

                def add_row(l, c2, _b=b):
                    for j in range(D // 16):
                        sl = pl.ds(j * 16, 16)
                        rows[_b][l, sl] = rows[_b][l, sl] + pos_v[l, sl]
                    return c2

                lax.fori_loop(0, CH, add_row, 0)
                pltpu.async_copy(
                    rows[b], out_hbm.at[pl.ds(wid * per_w + g * CH, CH)], osem[b]
                )
            return carry

        lax.fori_loop(0, n_ch // _NBUF, group, 0)
        for b in range(_NBUF):
            pltpu.make_async_copy(
                rows[b], out_hbm.at[pl.ds(wid * per_w, CH)], osem[b]
            ).wait()

    return k(x4, table, pos)


def kernel(x, token_embedding, positional_embedding):
    B, L = x.shape
    V, D = token_embedding.shape
    T = B * L
    NW = 32
    CH = L
    per_w = T // NW
    n_ch = per_w // CH
    x4 = x.reshape(NW, n_ch, 2, CH // 2).astype(jnp.int32)
    out = _sc_embed(
        x4, token_embedding, positional_embedding,
        NW=NW, n_ch=n_ch, CH=CH, T=T, D=D, L=L,
    )
    return out.reshape(B, L, D)

# --- scband reference (transcript-rebuilt; emitter-appended) ---
"""Pipeline reference for scband-clip-embedding-85272280694908 (READ-ONLY COPY).

The authoritative reference and input builder live on the scoring server;
editing this copy changes nothing except your own understanding.
"""

import jax, jax.numpy as jnp
import numpy as np

VOCAB_SIZE = 100000
EMBED_DIM = 128
N_TOKENS = 200
BATCH = 4096


def setup_inputs(seed: int = 0) -> dict:
    key = jax.random.key(seed)
    k1, k2, k3 = jax.random.split(key, 3)
    x = jax.random.randint(k1, (BATCH, N_TOKENS), 0, VOCAB_SIZE, dtype=jnp.int64 if jax.config.jax_enable_x64 else jnp.int32)
    token_embedding = jax.random.normal(k2, (VOCAB_SIZE, EMBED_DIM), dtype=jnp.float32) * 0.02
    # nn.Parameter(torch.zeros(n_tokens, embed_dim)) initializes to zeros
    positional_embedding = jnp.zeros((N_TOKENS, EMBED_DIM), dtype=jnp.float32)
    return {"x": x, "token_embedding": token_embedding, "positional_embedding": positional_embedding}


def reference(x, token_embedding, positional_embedding):
    # out = token_embedding(x) + positional_embedding
    tok = jnp.take(token_embedding, x, axis=0)  # (B, L, D) gather
    out = tok + positional_embedding[None, :, :]  # broadcast over batch
    return out

if __name__ == "__main__":
    import jax
    _d = setup_inputs()
    print(jax.jit(kernel)(*tuple(_d.values())))

</pallas_src>

<mosaic_0001>
#map = affine_map<(d0, d1) -> (0, 0, 0, 0)>
#map1 = affine_map<(d0, d1) -> (0, 0)>
module attributes {stable_mosaic.version = 14 : i64} {
  func.func @k(%arg0: i32, %arg1: i32, %arg2: memref<32x128x2x100xi32, #tpu.memory_space<hbm>>, %arg3: memref<100000x128xf32, #tpu.memory_space<hbm>>, %arg4: memref<200x128xf32, #tpu.memory_space<hbm>>, %arg5: memref<819200x128xf32, #tpu.memory_space<hbm>>, %arg6: memref<4x2x100xi32, #tpu.memory_space<vmem>>, %arg7: memref<200x128xf32, #tpu.memory_space<vmem>>, %arg8: memref<200x128xf32, #tpu.memory_space<vmem>>, %arg9: memref<200x128xf32, #tpu.memory_space<vmem>>, %arg10: memref<200x128xf32, #tpu.memory_space<vmem>>, %arg11: memref<200x128xf32, #tpu.memory_space<vmem>>, %arg12: memref<!tpu.dma_semaphore, #tpu.memory_space<semaphore_mem>>, %arg13: memref<!tpu.dma_semaphore, #tpu.memory_space<semaphore_mem>>, %arg14: memref<!tpu.dma_semaphore, #tpu.memory_space<semaphore_mem>>, %arg15: memref<!tpu.dma_semaphore, #tpu.memory_space<semaphore_mem>>, %arg16: memref<!tpu.dma_semaphore, #tpu.memory_space<semaphore_mem>>, %arg17: memref<!tpu.dma_semaphore, #tpu.memory_space<semaphore_mem>>, %arg18: memref<!tpu.dma_semaphore, #tpu.memory_space<semaphore_mem>>, %arg19: memref<!tpu.dma_semaphore, #tpu.memory_space<semaphore_mem>>, %arg20: memref<!tpu.dma_semaphore, #tpu.memory_space<semaphore_mem>>, %arg21: memref<!tpu.dma_semaphore, #tpu.memory_space<semaphore_mem>>, %arg22: memref<!tpu.dma_semaphore, #tpu.memory_space<semaphore_mem>>, %arg23: memref<!tpu.dma_semaphore, #tpu.memory_space<semaphore_mem>>) attributes {dimension_semantics = [#tpu.dimension_semantics<core_parallel>, #tpu.dimension_semantics<subcore_parallel>], iteration_bounds = array<i64: 2, 16>, scalar_prefetch = 0 : i64, scratch_operands = 18 : i64, tpu.core_type = #tpu.core_type<sc_vector_subcore>, window_params = [{transform_indices = #map}, {transform_indices = #map1}, {transform_indices = #map1}, {transform_indices = #map1}]} {
    %mul3A = arith.constant 2 : i32
    %mul3A_0 = arith.muli %arg1, %mul3A : i32
    %add3A = arith.addi %mul3A_0, %arg0 : i32
    "tpu.region"() ({
      %run_scoped3A = tpu.sem_alloc : memref<!tpu.dma_semaphore, #tpu.memory_space<semaphore_mem>>
      tpu.enqueue_dma source(%arg4 : memref<200x128xf32, #tpu.memory_space<hbm>>) target(%arg11 : memref<200x128xf32, #tpu.memory_space<vmem>>) target_semaphore(%run_scoped3A : memref<!tpu.dma_semaphore, #tpu.memory_space<semaphore_mem>>)
      tpu.wait_dma2 semaphore(%run_scoped3A : memref<!tpu.dma_semaphore, #tpu.memory_space<semaphore_mem>>) src(%arg4 : memref<200x128xf32, #tpu.memory_space<hbm>>) dst(%arg11 : memref<200x128xf32, #tpu.memory_space<vmem>>)
      tpu.yield
    }) : () -> ()
    %dma_start3A = arith.constant 0 : i32
    %dma_start3A_1 = arith.constant 0 : i32
    %dma_start3A_2 = arith.constant 0 : i32
    %dma_start3A_3 = arith.constant 0 : i32
    %dma_start3A_4 = tpu.memref_slice %arg6[%dma_start3A_1, %dma_start3A_2, %dma_start3A_3] : memref<4x2x100xi32, #tpu.memory_space<vmem>> -> memref<1x2x100xi32, #tpu.memory_space<vmem>>
    %dma_start3A_5 = tpu.memref_squeeze %dma_start3A_4 : memref<1x2x100xi32, #tpu.memory_space<vmem>> -> memref<2x100xi32, #tpu.memory_space<vmem>>
    %dma_start3A_6 = arith.constant 0 : i32
    %dma_start3A_7 = arith.constant 0 : i32
    %dma_start3A_8 = tpu.memref_slice %arg2[%add3A, %dma_start3A, %dma_start3A_6, %dma_start3A_7] : memref<32x128x2x100xi32, #tpu.memory_space<hbm>> -> memref<1x1x2x100xi32, #tpu.memory_space<hbm>>
    %dma_start3A_9 = tpu.memref_squeeze %dma_start3A_8 : memref<1x1x2x100xi32, #tpu.memory_space<hbm>> -> memref<2x100xi32, #tpu.memory_space<hbm>>
    %dma_start3A_10 = arith.constant 0 : i32
    %dma_start3A_11 = arith.constant 0 : i32
    %dma_start3A_12 = tpu.memref_slice %arg6[%dma_start3A_1, %dma_start3A_10, %dma_start3A_11] : memref<4x2x100xi32, #tpu.memory_space<vmem>> -> memref<1x2x100xi32, #tpu.memory_space<vmem>>
    %dma_start3A_13 = tpu.memref_squeeze %dma_start3A_12 : memref<1x2x100xi32, #tpu.memory_space<vmem>> -> memref<2x100xi32, #tpu.memory_space<vmem>>
    %dma_start3A_14 = arith.constant 0 : i32
    %dma_start3A_15 = arith.constant 0 : i32
    %dma_start3A_16 = tpu.memref_slice %arg2[%add3A, %dma_start3A, %dma_start3A_14, %dma_start3A_15] : memref<32x128x2x100xi32, #tpu.memory_space<hbm>> -> memref<1x1x2x100xi32, #tpu.memory_space<hbm>>
    %dma_start3A_17 = tpu.memref_squeeze %dma_start3A_16 : memref<1x1x2x100xi32, #tpu.memory_space<hbm>> -> memref<2x100xi32, #tpu.memory_space<hbm>>
    tpu.enqueue_dma source(%dma_start3A_17 : memref<2x100xi32, #tpu.memory_space<hbm>>) target(%dma_start3A_13 : memref<2x100xi32, #tpu.memory_space<vmem>>) target_semaphore(%arg20 : memref<!tpu.dma_semaphore, #tpu.memory_space<semaphore_mem>>)
    %dma_start3A_18 = arith.constant 1 : i32
    %dma_start3A_19 = arith.constant 1 : i32
    %dma_start3A_20 = arith.constant 0 : i32
    %dma_start3A_21 = arith.constant 0 : i32
    %dma_start3A_22 = tpu.memref_slice %arg6[%dma_start3A_19, %dma_start3A_20, %dma_start3A_21] : memref<4x2x100xi32, #tpu.memory_space<vmem>> -> memref<1x2x100xi32, #tpu.memory_space<vmem>>
    %dma_start3A_23 = tpu.memref_squeeze %dma_start3A_22 : memref<1x2x100xi32, #tpu.memory_space<vmem>> -> memref<2x100xi32, #tpu.memory_space<vmem>>
    %dma_start3A_24 = arith.constant 0 : i32
    %dma_start3A_25 = arith.constant 0 : i32
    %dma_start3A_26 = tpu.memref_slice %arg2[%add3A, %dma_start3A_18, %dma_start3A_24, %dma_start3A_25] : memref<32x128x2x100xi32, #tpu.memory_space<hbm>> -> memref<1x1x2x100xi32, #tpu.memory_space<hbm>>
    %dma_start3A_27 = tpu.memref_squeeze %dma_start3A_26 : memref<1x1x2x100xi32, #tpu.memory_space<hbm>> -> memref<2x100xi32, #tpu.memory_space<hbm>>
    %dma_start3A_28 = arith.constant 0 : i32
    %dma_start3A_29 = arith.constant 0 : i32
    %dma_start3A_30 = tpu.memref_slice %arg6[%dma_start3A_19, %dma_start3A_28, %dma_start3A_29] : memref<4x2x100xi32, #tpu.memory_space<vmem>> -> memref<1x2x100xi32, #tpu.memory_space<vmem>>
    %dma_start3A_31 = tpu.memref_squeeze %dma_start3A_30 : memref<1x2x100xi32, #tpu.memory_space<vmem>> -> memref<2x100xi32, #tpu.memory_space<vmem>>
    %dma_start3A_32 = arith.constant 0 : i32
    %dma_start3A_33 = arith.constant 0 : i32
    %dma_start3A_34 = tpu.memref_slice %arg2[%add3A, %dma_start3A_18, %dma_start3A_32, %dma_start3A_33] : memref<32x128x2x100xi32, #tpu.memory_space<hbm>> -> memref<1x1x2x100xi32, #tpu.memory_space<hbm>>
    %dma_start3A_35 = tpu.memref_squeeze %dma_start3A_34 : memref<1x1x2x100xi32, #tpu.memory_space<hbm>> -> memref<2x100xi32, #tpu.memory_space<hbm>>
    tpu.enqueue_dma source(%dma_start3A_35 : memref<2x100xi32, #tpu.memory_space<hbm>>) target(%dma_start3A_31 : memref<2x100xi32, #tpu.memory_space<vmem>>) target_semaphore(%arg21 : memref<!tpu.dma_semaphore, #tpu.memory_space<semaphore_mem>>)
    %dma_start3A_36 = arith.constant 2 : i32
    %dma_start3A_37 = arith.constant 2 : i32
    %dma_start3A_38 = arith.constant 0 : i32
    %dma_start3A_39 = arith.constant 0 : i32
    %dma_start3A_40 = tpu.memref_slice %arg6[%dma_start3A_37, %dma_start3A_38, %dma_start3A_39] : memref<4x2x100xi32, #tpu.memory_space<vmem>> -> memref<1x2x100xi32, #tpu.memory_space<vmem>>
    %dma_start3A_41 = tpu.memref_squeeze %dma_start3A_40 : memref<1x2x100xi32, #tpu.memory_space<vmem>> -> memref<2x100xi32, #tpu.memory_space<vmem>>
    %dma_start3A_42 = arith.constant 0 : i32
    %dma_start3A_43 = arith.constant 0 : i32
    %dma_start3A_44 = tpu.memref_slice %arg2[%add3A, %dma_start3A_36, %dma_start3A_42, %dma_start3A_43] : memref<32x128x2x100xi32, #tpu.memory_space<hbm>> -> memref<1x1x2x100xi32, #tpu.memory_space<hbm>>
    %dma_start3A_45 = tpu.memref_squeeze %dma_start3A_44 : memref<1x1x2x100xi32, #tpu.memory_space<hbm>> -> memref<2x100xi32, #tpu.memory_space<hbm>>
    %dma_start3A_46 = arith.constant 0 : i32
    %dma_start3A_47 = arith.constant 0 : i32
    %dma_start3A_48 = tpu.memref_slice %arg6[%dma_start3A_37, %dma_start3A_46, %dma_start3A_47] : memref<4x2x100xi32, #tpu.memory_space<vmem>> -> memref<1x2x100xi32, #tpu.memory_space<vmem>>
    %dma_start3A_49 = tpu.memref_squeeze %dma_start3A_48 : memref<1x2x100xi32, #tpu.memory_space<vmem>> -> memref<2x100xi32, #tpu.memory_space<vmem>>
    %dma_start3A_50 = arith.constant 0 : i32
    %dma_start3A_51 = arith.constant 0 : i32
    %dma_start3A_52 = tpu.memref_slice %arg2[%add3A, %dma_start3A_36, %dma_start3A_50, %dma_start3A_51] : memref<32x128x2x100xi32, #tpu.memory_space<hbm>> -> memref<1x1x2x100xi32, #tpu.memory_space<hbm>>
    %dma_start3A_53 = tpu.memref_squeeze %dma_start3A_52 : memref<1x1x2x100xi32, #tpu.memory_space<hbm>> -> memref<2x100xi32, #tpu.memory_space<hbm>>
    tpu.enqueue_dma source(%dma_start3A_53 : memref<2x100xi32, #tpu.memory_space<hbm>>) target(%dma_start3A_49 : memref<2x100xi32, #tpu.memory_space<vmem>>) target_semaphore(%arg22 : memref<!tpu.dma_semaphore, #tpu.memory_space<semaphore_mem>>)
    %dma_wait3A = arith.constant 0 : i32
    %dma_wait3A_54 = arith.constant 0 : i32
    %dma_wait3A_55 = arith.constant 0 : i32
    %dma_wait3A_56 = arith.constant 0 : i32
    %dma_wait3A_57 = tpu.memref_slice %arg6[%dma_wait3A_54, %dma_wait3A_55, %dma_wait3A_56] : memref<4x2x100xi32, #tpu.memory_space<vmem>> -> memref<1x2x100xi32, #tpu.memory_space<vmem>>
    %dma_wait3A_58 = tpu.memref_squeeze %dma_wait3A_57 : memref<1x2x100xi32, #tpu.memory_space<vmem>> -> memref<2x100xi32, #tpu.memory_space<vmem>>
    %dma_wait3A_59 = arith.constant 0 : i32
    %dma_wait3A_60 = arith.constant 0 : i32
    %dma_wait3A_61 = tpu.memref_slice %arg2[%add3A, %dma_wait3A, %dma_wait3A_59, %dma_wait3A_60] : memref<32x128x2x100xi32, #tpu.memory_space<hbm>> -> memref<1x1x2x100xi32, #tpu.memory_space<hbm>>
    %dma_wait3A_62 = tpu.memref_squeeze %dma_wait3A_61 : memref<1x1x2x100xi32, #tpu.memory_space<hbm>> -> memref<2x100xi32, #tpu.memory_space<hbm>>
    %dma_wait3A_63 = arith.constant 0 : i32
    %dma_wait3A_64 = arith.constant 0 : i32
    %dma_wait3A_65 = tpu.memref_slice %arg6[%dma_wait3A_54, %dma_wait3A_63, %dma_wait3A_64] : memref<4x2x100xi32, #tpu.memory_space<vmem>> -> memref<1x2x100xi32, #tpu.memory_space<vmem>>
    %dma_wait3A_66 = tpu.memref_squeeze %dma_wait3A_65 : memref<1x2x100xi32, #tpu.memory_space<vmem>> -> memref<2x100xi32, #tpu.memory_space<vmem>>
    %dma_wait3A_67 = arith.constant 0 : i32
    %dma_wait3A_68 = arith.constant 0 : i32
    %dma_wait3A_69 = tpu.memref_slice %arg2[%add3A, %dma_wait3A, %dma_wait3A_67, %dma_wait3A_68] : memref<32x128x2x100xi32, #tpu.memory_space<hbm>> -> memref<1x1x2x100xi32, #tpu.memory_space<hbm>>
    %dma_wait3A_70 = tpu.memref_squeeze %dma_wait3A_69 : memref<1x1x2x100xi32, #tpu.memory_space<hbm>> -> memref<2x100xi32, #tpu.memory_space<hbm>>
    tpu.wait_dma2 semaphore(%arg20 : memref<!tpu.dma_semaphore, #tpu.memory_space<semaphore_mem>>) src(%dma_wait3A_70 : memref<2x100xi32, #tpu.memory_space<hbm>>) dst(%dma_wait3A_66 : memref<2x100xi32, #tpu.memory_space<vmem>>)
    %dma_start3A_71 = arith.constant 0 : i32
    %dma_start3A_72 = arith.constant 0 : i32
    %dma_start3A_73 = arith.constant 0 : i32
    %dma_start3A_74 = arith.constant 0 : i32
    %dma_start3A_75 = tpu.memref_slice %arg7[%dma_start3A_73, %dma_start3A_74] : memref<200x128xf32, #tpu.memory_space<vmem>> -> memref<100x128xf32, #tpu.memory_space<vmem>>
    %dma_start3A_76 = arith.constant 0 : i32
    %dma_start3A_77 = tpu.memref_slice %arg6[%dma_start3A_71, %dma_start3A_72, %dma_start3A_76] : memref<4x2x100xi32, #tpu.memory_space<vmem>> -> memref<1x1x100xi32, #tpu.memory_space<vmem>>
    %dma_start3A_78 = tpu.memref_squeeze %dma_start3A_77 : memref<1x1x100xi32, #tpu.memory_space<vmem>> -> memref<100xi32, #tpu.memory_space<vmem>>
    %dma_start3A_79 = arith.constant 0 : i32
    %dma_start3A_80 = arith.constant 0 : i32
    %dma_start3A_81 = tpu.memref_slice %arg3[%dma_start3A_79, %dma_start3A_80] : memref<100000x128xf32, #tpu.memory_space<hbm>> -> memref<100000x128xf32, #tpu.memory_space<hbm>>
    tpu.enqueue_indirect_dma source(%dma_start3A_81 : memref<100000x128xf32, #tpu.memory_space<hbm>>) target(%dma_start3A_75 : memref<100x128xf32, #tpu.memory_space<vmem>>) offsets(%dma_start3A_78 : memref<100xi32, #tpu.memory_space<vmem>>) semaphore(%arg12 : memref<!tpu.dma_semaphore, #tpu.memory_space<semaphore_mem>>)
    %dma_start3A_82 = arith.constant 0 : i32
    %dma_start3A_83 = arith.constant 1 : i32
    %dma_start3A_84 = arith.constant 100 : i32
    %dma_start3A_85 = arith.constant 0 : i32
    %dma_start3A_86 = tpu.memref_slice %arg7[%dma_start3A_84, %dma_start3A_85] : memref<200x128xf32, #tpu.memory_space<vmem>> -> memref<100x128xf32, #tpu.memory_space<vmem>>
    %dma_start3A_87 = arith.constant 0 : i32
    %dma_start3A_88 = tpu.memref_slice %arg6[%dma_start3A_82, %dma_start3A_83, %dma_start3A_87] : memref<4x2x100xi32, #tpu.memory_space<vmem>> -> memref<1x1x100xi32, #tpu.memory_space<vmem>>
    %dma_start3A_89 = tpu.memref_squeeze %dma_start3A_88 : memref<1x1x100xi32, #tpu.memory_space<vmem>> -> memref<100xi32, #tpu.memory_space<vmem>>
    %dma_start3A_90 = arith.constant 0 : i32
    %dma_start3A_91 = arith.constant 0 : i32
    %dma_start3A_92 = tpu.memref_slice %arg3[%dma_start3A_90, %dma_start3A_91] : memref<100000x128xf32, #tpu.memory_space<hbm>> -> memref<100000x128xf32, #tpu.memory_space<hbm>>
    tpu.enqueue_indirect_dma source(%dma_start3A_92 : memref<100000x128xf32, #tpu.memory_space<hbm>>) target(%dma_start3A_86 : memref<100x128xf32, #tpu.memory_space<vmem>>) offsets(%dma_start3A_89 : memref<100xi32, #tpu.memory_space<vmem>>) semaphore(%arg12 : memref<!tpu.dma_semaphore, #tpu.memory_space<semaphore_mem>>)
    %dma_wait3A_93 = arith.constant 0 : i32
    %dma_wait3A_94 = arith.constant 1 : i32
    %dma_wait3A_95 = arith.constant 0 : i32
    %dma_wait3A_96 = arith.constant 0 : i32
    %dma_wait3A_97 = tpu.memref_slice %arg6[%dma_wait3A_94, %dma_wait3A_95, %dma_wait3A_96] : memref<4x2x100xi32, #tpu.memory_space<vmem>> -> memref<1x2x100xi32, #tpu.memory_space<vmem>>
    %dma_wait3A_98 = tpu.memref_squeeze %dma_wait3A_97 : memref<1x2x100xi32, #tpu.memory_space<vmem>> -> memref<2x100xi32, #tpu.memory_space<vmem>>
    %dma_wait3A_99 = arith.constant 0 : i32
    %dma_wait3A_100 = arith.constant 0 : i32
    %dma_wait3A_101 = tpu.memref_slice %arg2[%add3A, %dma_wait3A_93, %dma_wait3A_99, %dma_wait3A_100] : memref<32x128x2x100xi32, #tpu.memory_space<hbm>> -> memref<1x1x2x100xi32, #tpu.memory_space<hbm>>
    %dma_wait3A_102 = tpu.memref_squeeze %dma_wait3A_101 : memref<1x1x2x100xi32, #tpu.memory_space<hbm>> -> memref<2x100xi32, #tpu.memory_space<hbm>>
    %dma_wait3A_103 = arith.constant 0 : i32
    %dma_wait3A_104 = arith.constant 0 : i32
    %dma_wait3A_105 = tpu.memref_slice %arg6[%dma_wait3A_94, %dma_wait3A_103, %dma_wait3A_104] : memref<4x2x100xi32, #tpu.memory_space<vmem>> -> memref<1x2x100xi32, #tpu.memory_space<vmem>>
    %dma_wait3A_106 = tpu.memref_squeeze %dma_wait3A_105 : memref<1x2x100xi32, #tpu.memory_space<vmem>> -> memref<2x100xi32, #tpu.memory_space<vmem>>
    %dma_wait3A_107 = arith.constant 0 : i32
    %dma_wait3A_108 = arith.constant 0 : i32
    %dma_wait3A_109 = tpu.memref_slice %arg2[%add3A, %dma_wait3A_93, %dma_wait3A_107, %dma_wait3A_108] : memref<32x128x2x100xi32, #tpu.memory_space<hbm>> -> memref<1x1x2x100xi32, #tpu.memory_space<hbm>>
    %dma_wait3A_110 = tpu.memref_squeeze %dma_wait3A_109 : memref<1x1x2x100xi32, #tpu.memory_space<hbm>> -> memref<2x100xi32, #tpu.memory_space<hbm>>
    tpu.wait_dma2 semaphore(%arg21 : memref<!tpu.dma_semaphore, #tpu.memory_space<semaphore_mem>>) src(%dma_wait3A_110 : memref<2x100xi32, #tpu.memory_space<hbm>>) dst(%dma_wait3A_106 : memref<2x100xi32, #tpu.memory_space<vmem>>)
    %dma_start3A_111 = arith.constant 1 : i32
    %dma_start3A_112 = arith.constant 0 : i32
    %dma_start3A_113 = arith.constant 0 : i32
    %dma_start3A_114 = arith.constant 0 : i32
    %dma_start3A_115 = tpu.memref_slice %arg8[%dma_start3A_113, %dma_start3A_114] : memref<200x128xf32, #tpu.memory_space<vmem>> -> memref<100x128xf32, #tpu.memory_space<vmem>>
    %dma_start3A_116 = arith.constant 0 : i32
    %dma_start3A_117 = tpu.memref_slice %arg6[%dma_start3A_111, %dma_start3A_112, %dma_start3A_116] : memref<4x2x100xi32, #tpu.memory_space<vmem>> -> memref<1x1x100xi32, #tpu.memory_space<vmem>>
    %dma_start3A_118 = tpu.memref_squeeze %dma_start3A_117 : memref<1x1x100xi32, #tpu.memory_space<vmem>> -> memref<100xi32, #tpu.memory_space<vmem>>
    %dma_start3A_119 = arith.constant 0 : i32
    %dma_start3A_120 = arith.constant 0 : i32
    %dma_start3A_121 = tpu.memref_slice %arg3[%dma_start3A_119, %dma_start3A_120] : memref<100000x128xf32, #tpu.memory_space<hbm>> -> memref<100000x128xf32, #tpu.memory_space<hbm>>
    tpu.enqueue_indirect_dma source(%dma_start3A_121 : memref<100000x128xf32, #tpu.memory_space<hbm>>) target(%dma_start3A_115 : memref<100x128xf32, #tpu.memory_space<vmem>>) offsets(%dma_start3A_118 : memref<100xi32, #tpu.memory_space<vmem>>) semaphore(%arg13 : memref<!tpu.dma_semaphore, #tpu.memory_space<semaphore_mem>>)
    %dma_start3A_122 = arith.constant 1 : i32
    %dma_start3A_123 = arith.constant 1 : i32
    %dma_start3A_124 = arith.constant 100 : i32
    %dma_start3A_125 = arith.constant 0 : i32
    %dma_start3A_126 = tpu.memref_slice %arg8[%dma_start3A_124, %dma_start3A_125] : memref<200x128xf32, #tpu.memory_space<vmem>> -> memref<100x128xf32, #tpu.memory_space<vmem>>
    %dma_start3A_127 = arith.constant 0 : i32
    %dma_start3A_128 = tpu.memref_slice %arg6[%dma_start3A_122, %dma_start3A_123, %dma_start3A_127] : memref<4x2x100xi32, #tpu.memory_space<vmem>> -> memref<1x1x100xi32, #tpu.memory_space<vmem>>
    %dma_start3A_129 = tpu.memref_squeeze %dma_start3A_128 : memref<1x1x100xi32, #tpu.memory_space<vmem>> -> memref<100xi32, #tpu.memory_space<vmem>>
    %dma_start3A_130 = arith.constant 0 : i32
    %dma_start3A_131 = arith.constant 0 : i32
    %dma_start3A_132 = tpu.memref_slice %arg3[%dma_start3A_130, %dma_start3A_131] : memref<100000x128xf32, #tpu.memory_space<hbm>> -> memref<100000x128xf32, #tpu.memory_space<hbm>>
    tpu.enqueue_indirect_dma source(%dma_start3A_132 : memref<100000x128xf32, #tpu.memory_space<hbm>>) target(%dma_start3A_126 : memref<100x128xf32, #tpu.memory_space<vmem>>) offsets(%dma_start3A_129 : memref<100xi32, #tpu.memory_space<vmem>>) semaphore(%arg13 : memref<!tpu.dma_semaphore, #tpu.memory_space<semaphore_mem>>)
    %scan3A = arith.constant 0 : i32
    %scan3A_133 = arith.constant 0 : i32
    %scan3A_134 = arith.constant 32 : i32
    %scan3A_135 = arith.addi %scan3A_133, %scan3A_134 : i32
    %scan3A_136 = arith.constant 1 : i32
    scf.for %scan3A_162 = %scan3A_133 to %scan3A_135 step %scan3A_136  : i32 {
      %mul3A_163 = arith.constant 4 : i32
      %mul3A_164 = arith.muli %scan3A_162, %mul3A_163 : i32
      %add3A_165 = arith.constant 0 : i32
      %add3A_166 = arith.addi %mul3A_164, %add3A_165 : i32
      %add3A_167 = arith.constant 2 : i32
      %add3A_168 = arith.addi %add3A_166, %add3A_167 : i32
      %lt3A = arith.constant 128 : i32
      %lt3A_169 = arith.cmpi slt, %add3A_168, %lt3A : i32
      %convert_element_type3A = arith.extui %lt3A_169 : i1 to i32
      %cond3A = arith.constant 0 : i32
      %cond3A_170 = arith.cmpi ne, %convert_element_type3A, %cond3A : i32
      scf.if %cond3A_170 {
        %ge3A = arith.constant 2 : i32
        %ge3A_374 = arith.cmpi sge, %add3A_166, %ge3A : i32
        %convert_element_type3A_375 = arith.extui %ge3A_374 : i1 to i32
        %cond3A_376 = arith.constant 0 : i32
        %cond3A_377 = arith.cmpi ne, %convert_element_type3A_375, %cond3A_376 : i32
        scf.if %cond3A_377 {
          %mul3A_418 = arith.constant 25600 : i32
          %mul3A_419 = arith.muli %add3A, %mul3A_418 : i32
          %dma_wait3A_420 = arith.constant 0 : i32
          %dma_wait3A_421 = tpu.memref_slice %arg5[%mul3A_419, %dma_wait3A_420] : memref<819200x128xf32, #tpu.memory_space<hbm>> -> memref<200x128xf32, #tpu.memory_space<hbm>>
          %dma_wait3A_422 = arith.constant 0 : i32
          %dma_wait3A_423 = tpu.memref_slice %arg5[%mul3A_419, %dma_wait3A_422] : memref<819200x128xf32, #tpu.memory_space<hbm>> -> memref<200x128xf32, #tpu.memory_space<hbm>>
          tpu.wait_dma2 semaphore(%arg18 : memref<!tpu.dma_semaphore, #tpu.memory_space<semaphore_mem>>) src(%arg9 : memref<200x128xf32, #tpu.memory_space<vmem>>) dst(%dma_wait3A_423 : memref<200x128xf32, #tpu.memory_space<hbm>>)
        } else {
        }
        %dma_wait3A_378 = arith.constant 0 : i32
        %dma_wait3A_379 = arith.constant 2 : i32
        %dma_wait3A_380 = arith.constant 0 : i32
        %dma_wait3A_381 = arith.constant 0 : i32
        %dma_wait3A_382 = tpu.memref_slice %arg6[%dma_wait3A_379, %dma_wait3A_380, %dma_wait3A_381] : memref<4x2x100xi32, #tpu.memory_space<vmem>> -> memref<1x2x100xi32, #tpu.memory_space<vmem>>
        %dma_wait3A_383 = tpu.memref_squeeze %dma_wait3A_382 : memref<1x2x100xi32, #tpu.memory_space<vmem>> -> memref<2x100xi32, #tpu.memory_space<vmem>>
        %dma_wait3A_384 = arith.constant 0 : i32
        %dma_wait3A_385 = arith.constant 0 : i32
        %dma_wait3A_386 = tpu.memref_slice %arg2[%add3A, %dma_wait3A_378, %dma_wait3A_384, %dma_wait3A_385] : memref<32x128x2x100xi32, #tpu.memory_space<hbm>> -> memref<1x1x2x100xi32, #tpu.memory_space<hbm>>
        %dma_wait3A_387 = tpu.memref_squeeze %dma_wait3A_386 : memref<1x1x2x100xi32, #tpu.memory_space<hbm>> -> memref<2x100xi32, #tpu.memory_space<hbm>>
        %dma_wait3A_388 = arith.constant 0 : i32
        %dma_wait3A_389 = arith.constant 0 : i32
        %dma_wait3A_390 = tpu.memref_slice %arg6[%dma_wait3A_379, %dma_wait3A_388, %dma_wait3A_389] : memref<4x2x100xi32, #tpu.memory_space<vmem>> -> memref<1x2x100xi32, #tpu.memory_space<vmem>>
        %dma_wait3A_391 = tpu.memref_squeeze %dma_wait3A_390 : memref<1x2x100xi32, #tpu.memory_space<vmem>> -> memref<2x100xi32, #tpu.memory_space<vmem>>
        %dma_wait3A_392 = arith.constant 0 : i32
        %dma_wait3A_393 = arith.constant 0 : i32
        %dma_wait3A_394 = tpu.memref_slice %arg2[%add3A, %dma_wait3A_378, %dma_wait3A_392, %dma_wait3A_393] : memref<32x128x2x100xi32, #tpu.memory_space<hbm>> -> memref<1x1x2x100xi32, #tpu.memory_space<hbm>>
        %dma_wait3A_395 = tpu.memref_squeeze %dma_wait3A_394 : memref<1x1x2x100xi32, #tpu.memory_space<hbm>> -> memref<2x100xi32, #tpu.memory_space<hbm>>
        tpu.wait_dma2 semaphore(%arg22 : memref<!tpu.dma_semaphore, #tpu.memory_space<semaphore_mem>>) src(%dma_wait3A_395 : memref<2x100xi32, #tpu.memory_space<hbm>>) dst(%dma_wait3A_391 : memref<2x100xi32, #tpu.memory_space<vmem>>)
        %dma_start3A_396 = arith.constant 2 : i32
        %dma_start3A_397 = arith.constant 0 : i32
        %dma_start3A_398 = arith.constant 0 : i32
        %dma_start3A_399 = arith.constant 0 : i32
        %dma_start3A_400 = tpu.memref_slice %arg9[%dma_start3A_398, %dma_start3A_399] : memref<200x128xf32, #tpu.memory_space<vmem>> -> memref<100x128xf32, #tpu.memory_space<vmem>>
        %dma_start3A_401 = arith.constant 0 : i32
        %dma_start3A_402 = tpu.memref_slice %arg6[%dma_start3A_396, %dma_start3A_397, %dma_start3A_401] : memref<4x2x100xi32, #tpu.memory_space<vmem>> -> memref<1x1x100xi32, #tpu.memory_space<vmem>>
        %dma_start3A_403 = tpu.memref_squeeze %dma_start3A_402 : memref<1x1x100xi32, #tpu.memory_space<vmem>> -> memref<100xi32, #tpu.memory_space<vmem>>
        %dma_start3A_404 = arith.constant 0 : i32
        %dma_start3A_405 = arith.constant 0 : i32
        %dma_start3A_406 = tpu.memref_slice %arg3[%dma_start3A_404, %dma_start3A_405] : memref<100000x128xf32, #tpu.memory_space<hbm>> -> memref<100000x128xf32, #tpu.memory_space<hbm>>
        tpu.enqueue_indirect_dma source(%dma_start3A_406 : memref<100000x128xf32, #tpu.memory_space<hbm>>) target(%dma_start3A_400 : memref<100x128xf32, #tpu.memory_space<vmem>>) offsets(%dma_start3A_403 : memref<100xi32, #tpu.memory_space<vmem>>) semaphore(%arg14 : memref<!tpu.dma_semaphore, #tpu.memory_space<semaphore_mem>>)
        %dma_start3A_407 = arith.constant 2 : i32
        %dma_start3A_408 = arith.constant 1 : i32
        %dma_start3A_409 = arith.constant 100 : i32
        %dma_start3A_410 = arith.constant 0 : i32
        %dma_start3A_411 = tpu.memref_slice %arg9[%dma_start3A_409, %dma_start3A_410] : memref<200x128xf32, #tpu.memory_space<vmem>> -> memref<100x128xf32, #tpu.memory_space<vmem>>
        %dma_start3A_412 = arith.constant 0 : i32
        %dma_start3A_413 = tpu.memref_slice %arg6[%dma_start3A_407, %dma_start3A_408, %dma_start3A_412] : memref<4x2x100xi32, #tpu.memory_space<vmem>> -> memref<1x1x100xi32, #tpu.memory_space<vmem>>
        %dma_start3A_414 = tpu.memref_squeeze %dma_start3A_413 : memref<1x1x100xi32, #tpu.memory_space<vmem>> -> memref<100xi32, #tpu.memory_space<vmem>>
        %dma_start3A_415 = arith.constant 0 : i32
        %dma_start3A_416 = arith.constant 0 : i32
        %dma_start3A_417 = tpu.memref_slice %arg3[%dma_start3A_415, %dma_start3A_416] : memref<100000x128xf32, #tpu.memory_space<hbm>> -> memref<100000x128xf32, #tpu.memory_space<hbm>>
        tpu.enqueue_indirect_dma source(%dma_start3A_417 : memref<100000x128xf32, #tpu.memory_space<hbm>>) target(%dma_start3A_411 : memref<100x128xf32, #tpu.memory_space<vmem>>) offsets(%dma_start3A_414 : memref<100xi32, #tpu.memory_space<vmem>>) semaphore(%arg14 : memref<!tpu.dma_semaphore, #tpu.memory_space<semaphore_mem>>)
      } else {
      }
      %add3A_171 = arith.constant 3 : i32
      %add3A_172 = arith.addi %add3A_166, %add3A_171 : i32
      %lt3A_173 = arith.constant 128 : i32
      %lt3A_174 = arith.cmpi slt, %add3A_172, %lt3A_173 : i32
      %convert_element_type3A_175 = arith.extui %lt3A_174 : i1 to i32
      %cond3A_176 = arith.constant 0 : i32
      %cond3A_177 = arith.cmpi ne, %convert_element_type3A_175, %cond3A_176 : i32
      scf.if %cond3A_177 {
        %add3A_374 = arith.constant 3 : i32
        %add3A_375 = arith.addi %add3A_166, %add3A_374 : i32
        %dma_start3A_376 = arith.constant 3 : i32
        %dma_start3A_377 = arith.constant 0 : i32
        %dma_start3A_378 = arith.constant 0 : i32
        %dma_start3A_379 = tpu.memref_slice %arg6[%dma_start3A_376, %dma_start3A_377, %dma_start3A_378] : memref<4x2x100xi32, #tpu.memory_space<vmem>> -> memref<1x2x100xi32, #tpu.memory_space<vmem>>
        %dma_start3A_380 = tpu.memref_squeeze %dma_start3A_379 : memref<1x2x100xi32, #tpu.memory_space<vmem>> -> memref<2x100xi32, #tpu.memory_space<vmem>>
        %dma_start3A_381 = arith.constant 0 : i32
        %dma_start3A_382 = arith.constant 0 : i32
        %dma_start3A_383 = tpu.memref_slice %arg2[%add3A, %add3A_375, %dma_start3A_381, %dma_start3A_382] : memref<32x128x2x100xi32, #tpu.memory_space<hbm>> -> memref<1x1x2x100xi32, #tpu.memory_space<hbm>>
        %dma_start3A_384 = tpu.memref_squeeze %dma_start3A_383 : memref<1x1x2x100xi32, #tpu.memory_space<hbm>> -> memref<2x100xi32, #tpu.memory_space<hbm>>
        %dma_start3A_385 = arith.constant 0 : i32
        %dma_start3A_386 = arith.constant 0 : i32
        %dma_start3A_387 = tpu.memref_slice %arg6[%dma_start3A_376, %dma_start3A_385, %dma_start3A_386] : memref<4x2x100xi32, #tpu.memory_space<vmem>> -> memref<1x2x100xi32, #tpu.memory_space<vmem>>
        %dma_start3A_388 = tpu.memref_squeeze %dma_start3A_387 : memref<1x2x100xi32, #tpu.memory_space<vmem>> -> memref<2x100xi32, #tpu.memory_space<vmem>>
        %dma_start3A_389 = arith.constant 0 : i32
        %dma_start3A_390 = arith.constant 0 : i32
        %dma_start3A_391 = tpu.memref_slice %arg2[%add3A, %add3A_375, %dma_start3A_389, %dma_start3A_390] : memref<32x128x2x100xi32, #tpu.memory_space<hbm>> -> memref<1x1x2x100xi32, #tpu.memory_space<hbm>>
        %dma_start3A_392 = tpu.memref_squeeze %dma_start3A_391 : memref<1x1x2x100xi32, #tpu.memory_space<hbm>> -> memref<2x100xi32, #tpu.memory_space<hbm>>
        tpu.enqueue_dma source(%dma_start3A_392 : memref<2x100xi32, #tpu.memory_space<hbm>>) target(%dma_start3A_388 : memref<2x100xi32, #tpu.memory_space<vmem>>) target_semaphore(%arg23 : memref<!tpu.dma_semaphore, #tpu.memory_space<semaphore_mem>>)
      } else {
      }
      %dma_wait3A_178 = arith.constant 0 : i32
      %dma_wait3A_179 = arith.constant 0 : i32
      %dma_wait3A_180 = arith.constant 0 : i32
      %dma_wait3A_181 = arith.constant 0 : i32
      %dma_wait3A_182 = tpu.memref_slice %arg7[%dma_wait3A_180, %dma_wait3A_181] : memref<200x128xf32, #tpu.memory_space<vmem>> -> memref<100x128xf32, #tpu.memory_space<vmem>>
      %dma_wait3A_183 = arith.constant 0 : i32
      %dma_wait3A_184 = tpu.memref_slice %arg6[%dma_wait3A_178, %dma_wait3A_179, %dma_wait3A_183] : memref<4x2x100xi32, #tpu.memory_space<vmem>> -> memref<1x1x100xi32, #tpu.memory_space<vmem>>
      %dma_wait3A_185 = tpu.memref_squeeze %dma_wait3A_184 : memref<1x1x100xi32, #tpu.memory_space<vmem>> -> memref<100xi32, #tpu.memory_space<vmem>>
      %dma_wait3A_186 = arith.constant 0 : i32
      %dma_wait3A_187 = arith.constant 0 : i32
      %dma_wait3A_188 = tpu.memref_slice %arg3[%dma_wait3A_186, %dma_wait3A_187] : memref<100000x128xf32, #tpu.memory_space<hbm>> -> memref<100000x128xf32, #tpu.memory_space<hbm>>
      tpu.wait_indirect_dma semaphore(%arg12 : memref<!tpu.dma_semaphore, #tpu.memory_space<semaphore_mem>>) src(%dma_wait3A_188 : memref<100000x128xf32, #tpu.memory_space<hbm>>) dst(%dma_wait3A_182 : memref<100x128xf32, #tpu.memory_space<vmem>>)
      %dma_wait3A_189 = arith.constant 0 : i32
      %dma_wait3A_190 = arith.constant 1 : i32
      %dma_wait3A_191 = arith.constant 100 : i32
      %dma_wait3A_192 = arith.constant 0 : i32
      %dma_wait3A_193 = tpu.memref_slice %arg7[%dma_wait3A_191, %dma_wait3A_192] : memref<200x128xf32, #tpu.memory_space<vmem>> -> memref<100x128xf32, #tpu.memory_space<vmem>>
      %dma_wait3A_194 = arith.constant 0 : i32
      %dma_wait3A_195 = tpu.memref_slice %arg6[%dma_wait3A_189, %dma_wait3A_190, %dma_wait3A_194] : memref<4x2x100xi32, #tpu.memory_space<vmem>> -> memref<1x1x100xi32, #tpu.memory_space<vmem>>
      %dma_wait3A_196 = tpu.memref_squeeze %dma_wait3A_195 : memref<1x1x100xi32, #tpu.memory_space<vmem>> -> memref<100xi32, #tpu.memory_space<vmem>>
      %dma_wait3A_197 = arith.constant 0 : i32
      %dma_wait3A_198 = arith.constant 0 : i32
      %dma_wait3A_199 = tpu.memref_slice %arg3[%dma_wait3A_197, %dma_wait3A_198] : memref<100000x128xf32, #tpu.memory_space<hbm>> -> memref<100000x128xf32, #tpu.memory_space<hbm>>
      tpu.wait_indirect_dma semaphore(%arg12 : memref<!tpu.dma_semaphore, #tpu.memory_space<semaphore_mem>>) src(%dma_wait3A_199 : memref<100000x128xf32, #tpu.memory_space<hbm>>) dst(%dma_wait3A_193 : memref<100x128xf32, #tpu.memory_space<vmem>>)
      %scan3A_200 = arith.constant 0 : i32
      %scan3A_201 = arith.constant 0 : i32
      %scan3A_202 = arith.constant 200 : i32
      %scan3A_203 = arith.addi %scan3A_201, %scan3A_202 : i32
      %scan3A_204 = arith.constant 1 : i32
      scf.for %scan3A_374 = %scan3A_201 to %scan3A_203 step %scan3A_204  : i32 {
        %get3A = arith.index_cast %scan3A_374 : i32 to index
        %get3A_375 = arith.constant 0 : index
        %get3A_376 = tpu.vector_load %arg7[%get3A, %get3A_375] {strides = array<i32>} : memref<200x128xf32, #tpu.memory_space<vmem>>, vector<1x16xf32>,
        %get3A_377 = vector.shape_cast %get3A_376 : vector<1x16xf32> to vector<16xf32>
        %get3A_378 = arith.index_cast %scan3A_374 : i32 to index
        %get3A_379 = arith.constant 0 : index
        %get3A_380 = tpu.vector_load %arg11[%get3A_378, %get3A_379] {strides = array<i32>} : memref<200x128xf32, #tpu.memory_space<vmem>>, vector<1x16xf32>,
        %get3A_381 = vector.shape_cast %get3A_380 : vector<1x16xf32> to vector<16xf32>
        %add3A_382 = arith.addf %get3A_377, %get3A_381 : vector<16xf32>
        %swap3A = arith.index_cast %scan3A_374 : i32 to index
        %swap3A_383 = arith.constant 0 : index
        %swap3A_384 = tpu.vector_load %arg7[%swap3A, %swap3A_383] {strides = array<i32>} : memref<200x128xf32, #tpu.memory_space<vmem>>, vector<1x16xf32>,
        %swap3A_385 = vector.shape_cast %swap3A_384 : vector<1x16xf32> to vector<16xf32>
        %swap3A_386 = vector.shape_cast %add3A_382 : vector<16xf32> to vector<1x16xf32>
        tpu.vector_store %arg7[%swap3A, %swap3A_383], %swap3A_386 {strides = array<i32>} : memref<200x128xf32, #tpu.memory_space<vmem>>, vector<1x16xf32>,
        %get3A_387 = arith.index_cast %scan3A_374 : i32 to index
        %get3A_388 = arith.constant 16 : index
        %get3A_389 = tpu.vector_load %arg7[%get3A_387, %get3A_388] {strides = array<i32>} : memref<200x128xf32, #tpu.memory_space<vmem>>, vector<1x16xf32>,
        %get3A_390 = vector.shape_cast %get3A_389 : vector<1x16xf32> to vector<16xf32>
        %get3A_391 = arith.index_cast %scan3A_374 : i32 to index
        %get3A_392 = arith.constant 16 : index
        %get3A_393 = tpu.vector_load %arg11[%get3A_391, %get3A_392] {strides = array<i32>} : memref<200x128xf32, #tpu.memory_space<vmem>>, vector<1x16xf32>,
        %get3A_394 = vector.shape_cast %get3A_393 : vector<1x16xf32> to vector<16xf32>
        %add3A_395 = arith.addf %get3A_390, %get3A_394 : vector<16xf32>
        %swap3A_396 = arith.index_cast %scan3A_374 : i32 to index
        %swap3A_397 = arith.constant 16 : index
        %swap3A_398 = tpu.vector_load %arg7[%swap3A_396, %swap3A_397] {strides = array<i32>} : memref<200x128xf32, #tpu.memory_space<vmem>>, vector<1x16xf32>,
        %swap3A_399 = vector.shape_cast %swap3A_398 : vector<1x16xf32> to vector<16xf32>
        %swap3A_400 = vector.shape_cast %add3A_395 : vector<16xf32> to vector<1x16xf32>
        tpu.vector_store %arg7[%swap3A_396, %swap3A_397], %swap3A_400 {strides = array<i32>} : memref<200x128xf32, #tpu.memory_space<vmem>>, vector<1x16xf32>,
        %get3A_401 = arith.index_cast %scan3A_374 : i32 to index
        %get3A_402 = arith.constant 32 : index
        %get3A_403 = tpu.vector_load %arg7[%get3A_401, %get3A_402] {strides = array<i32>} : memref<200x128xf32, #tpu.memory_space<vmem>>, vector<1x16xf32>,
        %get3A_404 = vector.shape_cast %get3A_403 : vector<1x16xf32> to vector<16xf32>
        %get3A_405 = arith.index_cast %scan3A_374 : i32 to index
        %get3A_406 = arith.constant 32 : index
        %get3A_407 = tpu.vector_load %arg11[%get3A_405, %get3A_406] {strides = array<i32>} : memref<200x128xf32, #tpu.memory_space<vmem>>, vector<1x16xf32>,
        %get3A_408 = vector.shape_cast %get3A_407 : vector<1x16xf32> to vector<16xf32>
        %add3A_409 = arith.addf %get3A_404, %get3A_408 : vector<16xf32>
        %swap3A_410 = arith.index_cast %scan3A_374 : i32 to index
        %swap3A_411 = arith.constant 32 : index
        %swap3A_412 = tpu.vector_load %arg7[%swap3A_410, %swap3A_411] {strides = array<i32>} : memref<200x128xf32, #tpu.memory_space<vmem>>, vector<1x16xf32>,
        %swap3A_413 = vector.shape_cast %swap3A_412 : vector<1x16xf32> to vector<16xf32>
        %swap3A_414 = vector.shape_cast %add3A_409 : vector<16xf32> to vector<1x16xf32>
        tpu.vector_store %arg7[%swap3A_410, %swap3A_411], %swap3A_414 {strides = array<i32>} : memref<200x128xf32, #tpu.memory_space<vmem>>, vector<1x16xf32>,
        %get3A_415 = arith.index_cast %scan3A_374 : i32 to index
        %get3A_416 = arith.constant 48 : index
        %get3A_417 = tpu.vector_load %arg7[%get3A_415, %get3A_416] {strides = array<i32>} : memref<200x128xf32, #tpu.memory_space<vmem>>, vector<1x16xf32>,
        %get3A_418 = vector.shape_cast %get3A_417 : vector<1x16xf32> to vector<16xf32>
        %get3A_419 = arith.index_cast %scan3A_374 : i32 to index
        %get3A_420 = arith.constant 48 : index
        %get3A_421 = tpu.vector_load %arg11[%get3A_419, %get3A_420] {strides = array<i32>} : memref<200x128xf32, #tpu.memory_space<vmem>>, vector<1x16xf32>,
        %get3A_422 = vector.shape_cast %get3A_421 : vector<1x16xf32> to vector<16xf32>
        %add3A_423 = arith.addf %get3A_418, %get3A_422 : vector<16xf32>
        %swap3A_424 = arith.index_cast %scan3A_374 : i32 to index
        %swap3A_425 = arith.constant 48 : index
        %swap3A_426 = tpu.vector_load %arg7[%swap3A_424, %swap3A_425] {strides = array<i32>} : memref<200x128xf32, #tpu.memory_space<vmem>>, vector<1x16xf32>,
        %swap3A_427 = vector.shape_cast %swap3A_426 : vector<1x16xf32> to vector<16xf32>
        %swap3A_428 = vector.shape_cast %add3A_423 : vector<16xf32> to vector<1x16xf32>
        tpu.vector_store %arg7[%swap3A_424, %swap3A_425], %swap3A_428 {strides = array<i32>} : memref<200x128xf32, #tpu.memory_space<vmem>>, vector<1x16xf32>,
        %get3A_429 = arith.index_cast %scan3A_374 : i32 to index
        %get3A_430 = arith.constant 64 : index
        %get3A_431 = tpu.vector_load %arg7[%get3A_429, %get3A_430] {strides = array<i32>} : memref<200x128xf32, #tpu.memory_space<vmem>>, vector<1x16xf32>,
        %get3A_432 = vector.shape_cast %get3A_431 : vector<1x16xf32> to vector<16xf32>
        %get3A_433 = arith.index_cast %scan3A_374 : i32 to index
        %get3A_434 = arith.constant 64 : index
        %get3A_435 = tpu.vector_load %arg11[%get3A_433, %get3A_434] {strides = array<i32>} : memref<200x128xf32, #tpu.memory_space<vmem>>, vector<1x16xf32>,
        %get3A_436 = vector.shape_cast %get3A_435 : vector<1x16xf32> to vector<16xf32>
        %add3A_437 = arith.addf %get3A_432, %get3A_436 : vector<16xf32>
        %swap3A_438 = arith.index_cast %scan3A_374 : i32 to index
        %swap3A_439 = arith.constant 64 : index
        %swap3A_440 = tpu.vector_load %arg7[%swap3A_438, %swap3A_439] {strides = array<i32>} : memref<200x128xf32, #tpu.memory_space<vmem>>, vector<1x16xf32>,
        %swap3A_441 = vector.shape_cast %swap3A_440 : vector<1x16xf32> to vector<16xf32>
        %swap3A_442 = vector.shape_cast %add3A_437 : vector<16xf32> to vector<1x16xf32>
        tpu.vector_store %arg7[%swap3A_438, %swap3A_439], %swap3A_442 {strides = array<i32>} : memref<200x128xf32, #tpu.memory_space<vmem>>, vector<1x16xf32>,
        %get3A_443 = arith.index_cast %scan3A_374 : i32 to index
        %get3A_444 = arith.constant 80 : index
        %get3A_445 = tpu.vector_load %arg7[%get3A_443, %get3A_444] {strides = array<i32>} : memref<200x128xf32, #tpu.memory_space<vmem>>, vector<1x16xf32>,
        %get3A_446 = vector.shape_cast %get3A_445 : vector<1x16xf32> to vector<16xf32>
        %get3A_447 = arith.index_cast %scan3A_374 : i32 to index
        %get3A_448 = arith.constant 80 : index
        %get3A_449 = tpu.vector_load %arg11[%get3A_447, %get3A_448] {strides = array<i32>} : memref<200x128xf32, #tpu.memory_space<vmem>>, vector<1x16xf32>,
        %get3A_450 = vector.shape_cast %get3A_449 : vector<1x16xf32> to vector<16xf32>
        %add3A_451 = arith.addf %get3A_446, %get3A_450 : vector<16xf32>
        %swap3A_452 = arith.index_cast %scan3A_374 : i32 to index
        %swap3A_453 = arith.constant 80 : index
        %swap3A_454 = tpu.vector_load %arg7[%swap3A_452, %swap3A_453] {strides = array<i32>} : memref<200x128xf32, #tpu.memory_space<vmem>>, vector<1x16xf32>,
        %swap3A_455 = vector.shape_cast %swap3A_454 : vector<1x16xf32> to vector<16xf32>
        %swap3A_456 = vector.shape_cast %add3A_451 : vector<16xf32> to vector<1x16xf32>
        tpu.vector_store %arg7[%swap3A_452, %swap3A_453], %swap3A_456 {strides = array<i32>} : memref<200x128xf32, #tpu.memory_space<vmem>>, vector<1x16xf32>,
        %get3A_457 = arith.index_cast %scan3A_374 : i32 to index
        %get3A_458 = arith.constant 96 : index
        %get3A_459 = tpu.vector_load %arg7[%get3A_457, %get3A_458] {strides = array<i32>} : memref<200x128xf32, #tpu.memory_space<vmem>>, vector<1x16xf32>,
        %get3A_460 = vector.shape_cast %get3A_459 : vector<1x16xf32> to vector<16xf32>
        %get3A_461 = arith.index_cast %scan3A_374 : i32 to index
        %get3A_462 = arith.constant 96 : index
        %get3A_463 = tpu.vector_load %arg11[%get3A_461, %get3A_462] {strides = array<i32>} : memref<200x128xf32, #tpu.memory_space<vmem>>, vector<1x16xf32>,
        %get3A_464 = vector.shape_cast %get3A_463 : vector<1x16xf32> to vector<16xf32>
        %add3A_465 = arith.addf %get3A_460, %get3A_464 : vector<16xf32>
        %swap3A_466 = arith.index_cast %scan3A_374 : i32 to index
        %swap3A_467 = arith.constant 96 : index
        %swap3A_468 = tpu.vector_load %arg7[%swap3A_466, %swap3A_467] {strides = array<i32>} : memref<200x128xf32, #tpu.memory_space<vmem>>, vector<1x16xf32>,
        %swap3A_469 = vector.shape_cast %swap3A_468 : vector<1x16xf32> to vector<16xf32>
        %swap3A_470 = vector.shape_cast %add3A_465 : vector<16xf32> to vector<1x16xf32>
        tpu.vector_store %arg7[%swap3A_466, %swap3A_467], %swap3A_470 {strides = array<i32>} : memref<200x128xf32, #tpu.memory_space<vmem>>, vector<1x16xf32>,
        %get3A_471 = arith.index_cast %scan3A_374 : i32 to index
        %get3A_472 = arith.constant 112 : index
        %get3A_473 = tpu.vector_load %arg7[%get3A_471, %get3A_472] {strides = array<i32>} : memref<200x128xf32, #tpu.memory_space<vmem>>, vector<1x16xf32>,
        %get3A_474 = vector.shape_cast %get3A_473 : vector<1x16xf32> to vector<16xf32>
        %get3A_475 = arith.index_cast %scan3A_374 : i32 to index
        %get3A_476 = arith.constant 112 : index
        %get3A_477 = tpu.vector_load %arg11[%get3A_475, %get3A_476] {strides = array<i32>} : memref<200x128xf32, #tpu.memory_space<vmem>>, vector<1x16xf32>,
        %get3A_478 = vector.shape_cast %get3A_477 : vector<1x16xf32> to vector<16xf32>
        %add3A_479 = arith.addf %get3A_474, %get3A_478 : vector<16xf32>
        %swap3A_480 = arith.index_cast %scan3A_374 : i32 to index
        %swap3A_481 = arith.constant 112 : index
        %swap3A_482 = tpu.vector_load %arg7[%swap3A_480, %swap3A_481] {strides = array<i32>} : memref<200x128xf32, #tpu.memory_space<vmem>>, vector<1x16xf32>,
        %swap3A_483 = vector.shape_cast %swap3A_482 : vector<1x16xf32> to vector<16xf32>
        %swap3A_484 = vector.shape_cast %add3A_479 : vector<16xf32> to vector<1x16xf32>
        tpu.vector_store %arg7[%swap3A_480, %swap3A_481], %swap3A_484 {strides = array<i32>} : memref<200x128xf32, #tpu.memory_space<vmem>>, vector<1x16xf32>,
      }
      %scan3A_205 = arith.constant 200 : i32
      %mul3A_206 = arith.constant 25600 : i32
      %mul3A_207 = arith.muli %add3A, %mul3A_206 : i32
      %mul3A_208 = arith.constant 200 : i32
      %mul3A_209 = arith.muli %add3A_166, %mul3A_208 : i32
      %add3A_210 = arith.addi %mul3A_207, %mul3A_209 : i32
      %dma_start3A_211 = arith.constant 0 : i32
      %dma_start3A_212 = tpu.memref_slice %arg5[%add3A_210, %dma_start3A_211] : memref<819200x128xf32, #tpu.memory_space<hbm>> -> memref<200x128xf32, #tpu.memory_space<hbm>>
      %dma_start3A_213 = arith.constant 0 : i32
      %dma_start3A_214 = tpu.memref_slice %arg5[%add3A_210, %dma_start3A_213] : memref<819200x128xf32, #tpu.memory_space<hbm>> -> memref<200x128xf32, #tpu.memory_space<hbm>>
      tpu.enqueue_dma source(%arg7 : memref<200x128xf32, #tpu.memory_space<vmem>>) target(%dma_start3A_214 : memref<200x128xf32, #tpu.memory_space<hbm>>) target_semaphore(%arg16 : memref<!tpu.dma_semaphore, #tpu.memory_space<semaphore_mem>>)
      %add3A_215 = arith.constant 1 : i32
      %add3A_216 = arith.addi %mul3A_164, %add3A_215 : i32
      %add3A_217 = arith.constant 2 : i32
      %add3A_218 = arith.addi %add3A_216, %add3A_217 : i32
      %lt3A_219 = arith.constant 128 : i32
      %lt3A_220 = arith.cmpi slt, %add3A_218, %lt3A_219 : i32
      %convert_element_type3A_221 = arith.extui %lt3A_220 : i1 to i32
      %cond3A_222 = arith.constant 0 : i32
      %cond3A_223 = arith.cmpi ne, %convert_element_type3A_221, %cond3A_222 : i32
      scf.if %cond3A_223 {
        %ge3A = arith.constant 2 : i32
        %ge3A_374 = arith.cmpi sge, %add3A_216, %ge3A : i32
        %convert_element_type3A_375 = arith.extui %ge3A_374 : i1 to i32
        %cond3A_376 = arith.constant 0 : i32
        %cond3A_377 = arith.cmpi ne, %convert_element_type3A_375, %cond3A_376 : i32
        scf.if %cond3A_377 {
          %mul3A_418 = arith.constant 25600 : i32
          %mul3A_419 = arith.muli %add3A, %mul3A_418 : i32
          %dma_wait3A_420 = arith.constant 0 : i32
          %dma_wait3A_421 = tpu.memref_slice %arg5[%mul3A_419, %dma_wait3A_420] : memref<819200x128xf32, #tpu.memory_space<hbm>> -> memref<200x128xf32, #tpu.memory_space<hbm>>
          %dma_wait3A_422 = arith.constant 0 : i32
          %dma_wait3A_423 = tpu.memref_slice %arg5[%mul3A_419, %dma_wait3A_422] : memref<819200x128xf32, #tpu.memory_space<hbm>> -> memref<200x128xf32, #tpu.memory_space<hbm>>
          tpu.wait_dma2 semaphore(%arg19 : memref<!tpu.dma_semaphore, #tpu.memory_space<semaphore_mem>>) src(%arg10 : memref<200x128xf32, #tpu.memory_space<vmem>>) dst(%dma_wait3A_423 : memref<200x128xf32, #tpu.memory_space<hbm>>)
        } else {
        }
        %dma_wait3A_378 = arith.constant 0 : i32
        %dma_wait3A_379 = arith.constant 3 : i32
        %dma_wait3A_380 = arith.constant 0 : i32
        %dma_wait3A_381 = arith.constant 0 : i32
        %dma_wait3A_382 = tpu.memref_slice %arg6[%dma_wait3A_379, %dma_wait3A_380, %dma_wait3A_381] : memref<4x2x100xi32, #tpu.memory_space<vmem>> -> memref<1x2x100xi32, #tpu.memory_space<vmem>>
        %dma_wait3A_383 = tpu.memref_squeeze %dma_wait3A_382 : memref<1x2x100xi32, #tpu.memory_space<vmem>> -> memref<2x100xi32, #tpu.memory_space<vmem>>
        %dma_wait3A_384 = arith.constant 0 : i32
        %dma_wait3A_385 = arith.constant 0 : i32
        %dma_wait3A_386 = tpu.memref_slice %arg2[%add3A, %dma_wait3A_378, %dma_wait3A_384, %dma_wait3A_385] : memref<32x128x2x100xi32, #tpu.memory_space<hbm>> -> memref<1x1x2x100xi32, #tpu.memory_space<hbm>>
        %dma_wait3A_387 = tpu.memref_squeeze %dma_wait3A_386 : memref<1x1x2x100xi32, #tpu.memory_space<hbm>> -> memref<2x100xi32, #tpu.memory_space<hbm>>
        %dma_wait3A_388 = arith.constant 0 : i32
        %dma_wait3A_389 = arith.constant 0 : i32
        %dma_wait3A_390 = tpu.memref_slice %arg6[%dma_wait3A_379, %dma_wait3A_388, %dma_wait3A_389] : memref<4x2x100xi32, #tpu.memory_space<vmem>> -> memref<1x2x100xi32, #tpu.memory_space<vmem>>
        %dma_wait3A_391 = tpu.memref_squeeze %dma_wait3A_390 : memref<1x2x100xi32, #tpu.memory_space<vmem>> -> memref<2x100xi32, #tpu.memory_space<vmem>>
        %dma_wait3A_392 = arith.constant 0 : i32
        %dma_wait3A_393 = arith.constant 0 : i32
        %dma_wait3A_394 = tpu.memref_slice %arg2[%add3A, %dma_wait3A_378, %dma_wait3A_392, %dma_wait3A_393] : memref<32x128x2x100xi32, #tpu.memory_space<hbm>> -> memref<1x1x2x100xi32, #tpu.memory_space<hbm>>
        %dma_wait3A_395 = tpu.memref_squeeze %dma_wait3A_394 : memref<1x1x2x100xi32, #tpu.memory_space<hbm>> -> memref<2x100xi32, #tpu.memory_space<hbm>>
        tpu.wait_dma2 semaphore(%arg23 : memref<!tpu.dma_semaphore, #tpu.memory_space<semaphore_mem>>) src(%dma_wait3A_395 : memref<2x100xi32, #tpu.memory_space<hbm>>) dst(%dma_wait3A_391 : memref<2x100xi32, #tpu.memory_space<vmem>>)
        %dma_start3A_396 = arith.constant 3 : i32
        %dma_start3A_397 = arith.constant 0 : i32
        %dma_start3A_398 = arith.constant 0 : i32
        %dma_start3A_399 = arith.constant 0 : i32
        %dma_start3A_400 = tpu.memref_slice %arg10[%dma_start3A_398, %dma_start3A_399] : memref<200x128xf32, #tpu.memory_space<vmem>> -> memref<100x128xf32, #tpu.memory_space<vmem>>
        %dma_start3A_401 = arith.constant 0 : i32
        %dma_start3A_402 = tpu.memref_slice %arg6[%dma_start3A_396, %dma_start3A_397, %dma_start3A_401] : memref<4x2x100xi32, #tpu.memory_space<vmem>> -> memref<1x1x100xi32, #tpu.memory_space<vmem>>
        %dma_start3A_403 = tpu.memref_squeeze %dma_start3A_402 : memref<1x1x100xi32, #tpu.memory_space<vmem>> -> memref<100xi32, #tpu.memory_space<vmem>>
        %dma_start3A_404 = arith.constant 0 : i32
        %dma_start3A_405 = arith.constant 0 : i32
        %dma_start3A_406 = tpu.memref_slice %arg3[%dma_start3A_404, %dma_start3A_405] : memref<100000x128xf32, #tpu.memory_space<hbm>> -> memref<100000x128xf32, #tpu.memory_space<hbm>>
        tpu.enqueue_indirect_dma source(%dma_start3A_406 : memref<100000x128xf32, #tpu.memory_space<hbm>>) target(%dma_start3A_400 : memref<100x128xf32, #tpu.memory_space<vmem>>) offsets(%dma_start3A_403 : memref<100xi32, #tpu.memory_space<vmem>>) semaphore(%arg15 : memref<!tpu.dma_semaphore, #tpu.memory_space<semaphore_mem>>)
        %dma_start3A_407 = arith.constant 3 : i32
        %dma_start3A_408 = arith.constant 1 : i32
        %dma_start3A_409 = arith.constant 100 : i32
        %dma_start3A_410 = arith.constant 0 : i32
        %dma_start3A_411 = tpu.memref_slice %arg10[%dma_start3A_409, %dma_start3A_410] : memref<200x128xf32, #tpu.memory_space<vmem>> -> memref<100x128xf32, #tpu.memory_space<vmem>>
        %dma_start3A_412 = arith.constant 0 : i32
        %dma_start3A_413 = tpu.memref_slice %arg6[%dma_start3A_407, %dma_start3A_408, %dma_start3A_412] : memref<4x2x100xi32, #tpu.memory_space<vmem>> -> memref<1x1x100xi32, #tpu.memory_space<vmem>>
        %dma_start3A_414 = tpu.memref_squeeze %dma_start3A_413 : memref<1x1x100xi32, #tpu.memory_space<vmem>> -> memref<100xi32, #tpu.memory_space<vmem>>
        %dma_start3A_415 = arith.constant 0 : i32
        %dma_start3A_416 = arith.constant 0 : i32
        %dma_start3A_417 = tpu.memref_slice %arg3[%dma_start3A_415, %dma_start3A_416] : memref<100000x128xf32, #tpu.memory_space<hbm>> -> memref<100000x128xf32, #tpu.memory_space<hbm>>
        tpu.enqueue_indirect_dma source(%dma_start3A_417 : memref<100000x128xf32, #tpu.memory_space<hbm>>) target(%dma_start3A_411 : memref<100x128xf32, #tpu.memory_space<vmem>>) offsets(%dma_start3A_414 : memref<100xi32, #tpu.memory_space<vmem>>) semaphore(%arg15 : memref<!tpu.dma_semaphore, #tpu.memory_space<semaphore_mem>>)
      } else {
      }
      %add3A_224 = arith.constant 3 : i32
      %add3A_225 = arith.addi %add3A_216, %add3A_224 : i32
      %lt3A_226 = arith.constant 128 : i32
      %lt3A_227 = arith.cmpi slt, %add3A_225, %lt3A_226 : i32
      %convert_element_type3A_228 = arith.extui %lt3A_227 : i1 to i32
      %cond3A_229 = arith.constant 0 : i32
      %cond3A_230 = arith.cmpi ne, %convert_element_type3A_228, %cond3A_229 : i32
      scf.if %cond3A_230 {
        %add3A_374 = arith.constant 3 : i32
        %add3A_375 = arith.addi %add3A_216, %add3A_374 : i32
        %dma_start3A_376 = arith.constant 0 : i32
        %dma_start3A_377 = arith.constant 0 : i32
        %dma_start3A_378 = arith.constant 0 : i32
        %dma_start3A_379 = tpu.memref_slice %arg6[%dma_start3A_376, %dma_start3A_377, %dma_start3A_378] : memref<4x2x100xi32, #tpu.memory_space<vmem>> -> memref<1x2x100xi32, #tpu.memory_space<vmem>>
        %dma_start3A_380 = tpu.memref_squeeze %dma_start3A_379 : memref<1x2x100xi32, #tpu.memory_space<vmem>> -> memref<2x100xi32, #tpu.memory_space<vmem>>
        %dma_start3A_381 = arith.constant 0 : i32
        %dma_start3A_382 = arith.constant 0 : i32
        %dma_start3A_383 = tpu.memref_slice %arg2[%add3A, %add3A_375, %dma_start3A_381, %dma_start3A_382] : memref<32x128x2x100xi32, #tpu.memory_space<hbm>> -> memref<1x1x2x100xi32, #tpu.memory_space<hbm>>
        %dma_start3A_384 = tpu.memref_squeeze %dma_start3A_383 : memref<1x1x2x100xi32, #tpu.memory_space<hbm>> -> memref<2x100xi32, #tpu.memory_space<hbm>>
        %dma_start3A_385 = arith.constant 0 : i32
        %dma_start3A_386 = arith.constant 0 : i32
        %dma_start3A_387 = tpu.memref_slice %arg6[%dma_start3A_376, %dma_start3A_385, %dma_start3A_386] : memref<4x2x100xi32, #tpu.memory_space<vmem>> -> memref<1x2x100xi32, #tpu.memory_space<vmem>>
        %dma_start3A_388 = tpu.memref_squeeze %dma_start3A_387 : memref<1x2x100xi32, #tpu.memory_space<vmem>> -> memref<2x100xi32, #tpu.memory_space<vmem>>
        %dma_start3A_389 = arith.constant 0 : i32
        %dma_start3A_390 = arith.constant 0 : i32
        %dma_start3A_391 = tpu.memref_slice %arg2[%add3A, %add3A_375, %dma_start3A_389, %dma_start3A_390] : memref<32x128x2x100xi32, #tpu.memory_space<hbm>> -> memref<1x1x2x100xi32, #tpu.memory_space<hbm>>
        %dma_start3A_392 = tpu.memref_squeeze %dma_start3A_391 : memref<1x1x2x100xi32, #tpu.memory_space<hbm>> -> memref<2x100xi32, #tpu.memory_space<hbm>>
        tpu.enqueue_dma source(%dma_start3A_392 : memref<2x100xi32, #tpu.memory_space<hbm>>) target(%dma_start3A_388 : memref<2x100xi32, #tpu.memory_space<vmem>>) target_semaphore(%arg20 : memref<!tpu.dma_semaphore, #tpu.memory_space<semaphore_mem>>)
      } else {
      }
      %dma_wait3A_231 = arith.constant 1 : i32
      %dma_wait3A_232 = arith.constant 0 : i32
      %dma_wait3A_233 = arith.constant 0 : i32
      %dma_wait3A_234 = arith.constant 0 : i32
      %dma_wait3A_235 = tpu.memref_slice %arg8[%dma_wait3A_233, %dma_wait3A_234] : memref<200x128xf32, #tpu.memory_space<vmem>> -> memref<100x128xf32, #tpu.memory_space<vmem>>
      %dma_wait3A_236 = arith.constant 0 : i32
      %dma_wait3A_237 = tpu.memref_slice %arg6[%dma_wait3A_231, %dma_wait3A_232, %dma_wait3A_236] : memref<4x2x100xi32, #tpu.memory_space<vmem>> -> memref<1x1x100xi32, #tpu.memory_space<vmem>>
      %dma_wait3A_238 = tpu.memref_squeeze %dma_wait3A_237 : memref<1x1x100xi32, #tpu.memory_space<vmem>> -> memref<100xi32, #tpu.memory_space<vmem>>
      %dma_wait3A_239 = arith.constant 0 : i32
      %dma_wait3A_240 = arith.constant 0 : i32
      %dma_wait3A_241 = tpu.memref_slice %arg3[%dma_wait3A_239, %dma_wait3A_240] : memref<100000x128xf32, #tpu.memory_space<hbm>> -> memref<100000x128xf32, #tpu.memory_space<hbm>>
      tpu.wait_indirect_dma semaphore(%arg13 : memref<!tpu.dma_semaphore, #tpu.memory_space<semaphore_mem>>) src(%dma_wait3A_241 : memref<100000x128xf32, #tpu.memory_space<hbm>>) dst(%dma_wait3A_235 : memref<100x128xf32, #tpu.memory_space<vmem>>)
      %dma_wait3A_242 = arith.constant 1 : i32
      %dma_wait3A_243 = arith.constant 1 : i32
      %dma_wait3A_244 = arith.constant 100 : i32
      %dma_wait3A_245 = arith.constant 0 : i32
      %dma_wait3A_246 = tpu.memref_slice %arg8[%dma_wait3A_244, %dma_wait3A_245] : memref<200x128xf32, #tpu.memory_space<vmem>> -> memref<100x128xf32, #tpu.memory_space<vmem>>
      %dma_wait3A_247 = arith.constant 0 : i32
      %dma_wait3A_248 = tpu.memref_slice %arg6[%dma_wait3A_242, %dma_wait3A_243, %dma_wait3A_247] : memref<4x2x100xi32, #tpu.memory_space<vmem>> -> memref<1x1x100xi32, #tpu.memory_space<vmem>>
      %dma_wait3A_249 = tpu.memref_squeeze %dma_wait3A_248 : memref<1x1x100xi32, #tpu.memory_space<vmem>> -> memref<100xi32, #tpu.memory_space<vmem>>
      %dma_wait3A_250 = arith.constant 0 : i32
      %dma_wait3A_251 = arith.constant 0 : i32
      %dma_wait3A_252 = tpu.memref_slice %arg3[%dma_wait3A_250, %dma_wait3A_251] : memref<100000x128xf32, #tpu.memory_space<hbm>> -> memref<100000x128xf32, #tpu.memory_space<hbm>>
      tpu.wait_indirect_dma semaphore(%arg13 : memref<!tpu.dma_semaphore, #tpu.memory_space<semaphore_mem>>) src(%dma_wait3A_252 : memref<100000x128xf32, #tpu.memory_space<hbm>>) dst(%dma_wait3A_246 : memref<100x128xf32, #tpu.memory_space<vmem>>)
      %scan3A_253 = arith.constant 0 : i32
      %scan3A_254 = arith.constant 0 : i32
      %scan3A_255 = arith.constant 200 : i32
      %scan3A_256 = arith.addi %scan3A_254, %scan3A_255 : i32
      %scan3A_257 = arith.constant 1 : i32
      scf.for %scan3A_374 = %scan3A_254 to %scan3A_256 step %scan3A_257  : i32 {
        %get3A = arith.index_cast %scan3A_374 : i32 to index
        %get3A_375 = arith.constant 0 : index
        %get3A_376 = tpu.vector_load %arg8[%get3A, %get3A_375] {strides = array<i32>} : memref<200x128xf32, #tpu.memory_space<vmem>>, vector<1x16xf32>,
        %get3A_377 = vector.shape_cast %get3A_376 : vector<1x16xf32> to vector<16xf32>
        %get3A_378 = arith.index_cast %scan3A_374 : i32 to index
        %get3A_379 = arith.constant 0 : index
        %get3A_380 = tpu.vector_load %arg11[%get3A_378, %get3A_379] {strides = array<i32>} : memref<200x128xf32, #tpu.memory_space<vmem>>, vector<1x16xf32>,
        %get3A_381 = vector.shape_cast %get3A_380 : vector<1x16xf32> to vector<16xf32>
        %add3A_382 = arith.addf %get3A_377, %get3A_381 : vector<16xf32>
        %swap3A = arith.index_cast %scan3A_374 : i32 to index
        %swap3A_383 = arith.constant 0 : index
        %swap3A_384 = tpu.vector_load %arg8[%swap3A, %swap3A_383] {strides = array<i32>} : memref<200x128xf32, #tpu.memory_space<vmem>>, vector<1x16xf32>,
        %swap3A_385 = vector.shape_cast %swap3A_384 : vector<1x16xf32> to vector<16xf32>
        %swap3A_386 = vector.shape_cast %add3A_382 : vector<16xf32> to vector<1x16xf32>
        tpu.vector_store %arg8[%swap3A, %swap3A_383], %swap3A_386 {strides = array<i32>} : memref<200x128xf32, #tpu.memory_space<vmem>>, vector<1x16xf32>,
        %get3A_387 = arith.index_cast %scan3A_374 : i32 to index
        %get3A_388 = arith.constant 16 : index
        %get3A_389 = tpu.vector_load %arg8[%get3A_387, %get3A_388] {strides = array<i32>} : memref<200x128xf32, #tpu.memory_space<vmem>>, vector<1x16xf32>,
        %get3A_390 = vector.shape_cast %get3A_389 : vector<1x16xf32> to vector<16xf32>
        %get3A_391 = arith.index_cast %scan3A_374 : i32 to index
        %get3A_392 = arith.constant 16 : index
        %get3A_393 = tpu.vector_load %arg11[%get3A_391, %get3A_392] {strides = array<i32>} : memref<200x128xf32, #tpu.memory_space<vmem>>, vector<1x16xf32>,
        %get3A_394 = vector.shape_cast %get3A_393 : vector<1x16xf32> to vector<16xf32>
        %add3A_395 = arith.addf %get3A_390, %get3A_394 : vector<16xf32>
        %swap3A_396 = arith.index_cast %scan3A_374 : i32 to index
        %swap3A_397 = arith.constant 16 : index
        %swap3A_398 = tpu.vector_load %arg8[%swap3A_396, %swap3A_397] {strides = array<i32>} : memref<200x128xf32, #tpu.memory_space<vmem>>, vector<1x16xf32>,
        %swap3A_399 = vector.shape_cast %swap3A_398 : vector<1x16xf32> to vector<16xf32>
        %swap3A_400 = vector.shape_cast %add3A_395 : vector<16xf32> to vector<1x16xf32>
        tpu.vector_store %arg8[%swap3A_396, %swap3A_397], %swap3A_400 {strides = array<i32>} : memref<200x128xf32, #tpu.memory_space<vmem>>, vector<1x16xf32>,
        %get3A_401 = arith.index_cast %scan3A_374 : i32 to index
        %get3A_402 = arith.constant 32 : index
        %get3A_403 = tpu.vector_load %arg8[%get3A_401, %get3A_402] {strides = array<i32>} : memref<200x128xf32, #tpu.memory_space<vmem>>, vector<1x16xf32>,
        %get3A_404 = vector.shape_cast %get3A_403 : vector<1x16xf32> to vector<16xf32>
        %get3A_405 = arith.index_cast %scan3A_374 : i32 to index
        %get3A_406 = arith.constant 32 : index
        %get3A_407 = tpu.vector_load %arg11[%get3A_405, %get3A_406] {strides = array<i32>} : memref<200x128xf32, #tpu.memory_space<vmem>>, vector<1x16xf32>,
        %get3A_408 = vector.shape_cast %get3A_407 : vector<1x16xf32> to vector<16xf32>
        %add3A_409 = arith.addf %get3A_404, %get3A_408 : vector<16xf32>
        %swap3A_410 = arith.index_cast %scan3A_374 : i32 to index
        %swap3A_411 = arith.constant 32 : index
        %swap3A_412 = tpu.vector_load %arg8[%swap3A_410, %swap3A_411] {strides = array<i32>} : memref<200x128xf32, #tpu.memory_space<vmem>>, vector<1x16xf32>,
        %swap3A_413 = vector.shape_cast %swap3A_412 : vector<1x16xf32> to vector<16xf32>
        %swap3A_414 = vector.shape_cast %add3A_409 : vector<16xf32> to vector<1x16xf32>
        tpu.vector_store %arg8[%swap3A_410, %swap3A_411], %swap3A_414 {strides = array<i32>} : memref<200x128xf32, #tpu.memory_space<vmem>>, vector<1x16xf32>,
        %get3A_415 = arith.index_cast %scan3A_374 : i32 to index
        %get3A_416 = arith.constant 48 : index
        %get3A_417 = tpu.vector_load %arg8[%get3A_415, %get3A_416] {strides = array<i32>} : memref<200x128xf32, #tpu.memory_space<vmem>>, vector<1x16xf32>,
        %get3A_418 = vector.shape_cast %get3A_417 : vector<1x16xf32> to vector<16xf32>
        %get3A_419 = arith.index_cast %scan3A_374 : i32 to index
        %get3A_420 = arith.constant 48 : index
        %get3A_421 = tpu.vector_load %arg11[%get3A_419, %get3A_420] {strides = array<i32>} : memref<200x128xf32, #tpu.memory_space<vmem>>, vector<1x16xf32>,
        %get3A_422 = vector.shape_cast %get3A_421 : vector<1x16xf32> to vector<16xf32>
        %add3A_423 = arith.addf %get3A_418, %get3A_422 : vector<16xf32>
        %swap3A_424 = arith.index_cast %scan3A_374 : i32 to index
        %swap3A_425 = arith.constant 48 : index
        %swap3A_426 = tpu.vector_load %arg8[%swap3A_424, %swap3A_425] {strides = array<i32>} : memref<200x128xf32, #tpu.memory_space<vmem>>, vector<1x16xf32>,
        %swap3A_427 = vector.shape_cast %swap3A_426 : vector<1x16xf32> to vector<16xf32>
        %swap3A_428 = vector.shape_cast %add3A_423 : vector<16xf32> to vector<1x16xf32>
        tpu.vector_store %arg8[%swap3A_424, %swap3A_425], %swap3A_428 {strides = array<i32>} : memref<200x128xf32, #tpu.memory_space<vmem>>, vector<1x16xf32>,
        %get3A_429 = arith.index_cast %scan3A_374 : i32 to index
        %get3A_430 = arith.constant 64 : index
        %get3A_431 = tpu.vector_load %arg8[%get3A_429, %get3A_430] {strides = array<i32>} : memref<200x128xf32, #tpu.memory_space<vmem>>, vector<1x16xf32>,
        %get3A_432 = vector.shape_cast %get3A_431 : vector<1x16xf32> to vector<16xf32>
        %get3A_433 = arith.index_cast %scan3A_374 : i32 to index
        %get3A_434 = arith.constant 64 : index
        %get3A_435 = tpu.vector_load %arg11[%get3A_433, %get3A_434] {strides = array<i32>} : memref<200x128xf32, #tpu.memory_space<vmem>>, vector<1x16xf32>,
        %get3A_436 = vector.shape_cast %get3A_435 : vector<1x16xf32> to vector<16xf32>
        %add3A_437 = arith.addf %get3A_432, %get3A_436 : vector<16xf32>
        %swap3A_438 = arith.index_cast %scan3A_374 : i32 to index
        %swap3A_439 = arith.constant 64 : index
        %swap3A_440 = tpu.vector_load %arg8[%swap3A_438, %swap3A_439] {strides = array<i32>} : memref<200x128xf32, #tpu.memory_space<vmem>>, vector<1x16xf32>,
        %swap3A_441 = vector.shape_cast %swap3A_440 : vector<1x16xf32> to vector<16xf32>
        %swap3A_442 = vector.shape_cast %add3A_437 : vector<16xf32> to vector<1x16xf32>
        tpu.vector_store %arg8[%swap3A_438, %swap3A_439], %swap3A_442 {strides = array<i32>} : memref<200x128xf32, #tpu.memory_space<vmem>>, vector<1x16xf32>,
        %get3A_443 = arith.index_cast %scan3A_374 : i32 to index
        %get3A_444 = arith.constant 80 : index
        %get3A_445 = tpu.vector_load %arg8[%get3A_443, %get3A_444] {strides = array<i32>} : memref<200x128xf32, #tpu.memory_space<vmem>>, vector<1x16xf32>,
        %get3A_446 = vector.shape_cast %get3A_445 : vector<1x16xf32> to vector<16xf32>
        %get3A_447 = arith.index_cast %scan3A_374 : i32 to index
        %get3A_448 = arith.constant 80 : index
        %get3A_449 = tpu.vector_load %arg11[%get3A_447, %get3A_448] {strides = array<i32>} : memref<200x128xf32, #tpu.memory_space<vmem>>, vector<1x16xf32>,
        %get3A_450 = vector.shape_cast %get3A_449 : vector<1x16xf32> to vector<16xf32>
        %add3A_451 = arith.addf %get3A_446, %get3A_450 : vector<16xf32>
        %swap3A_452 = arith.index_cast %scan3A_374 : i32 to index
        %swap3A_453 = arith.constant 80 : index
        %swap3A_454 = tpu.vector_load %arg8[%swap3A_452, %swap3A_453] {strides = array<i32>} : memref<200x128xf32, #tpu.memory_space<vmem>>, vector<1x16xf32>,
        %swap3A_455 = vector.shape_cast %swap3A_454 : vector<1x16xf32> to vector<16xf32>
        %swap3A_456 = vector.shape_cast %add3A_451 : vector<16xf32> to vector<1x16xf32>
        tpu.vector_store %arg8[%swap3A_452, %swap3A_453], %swap3A_456 {strides = array<i32>} : memref<200x128xf32, #tpu.memory_space<vmem>>, vector<1x16xf32>,
        %get3A_457 = arith.index_cast %scan3A_374 : i32 to index
        %get3A_458 = arith.constant 96 : index
        %get3A_459 = tpu.vector_load %arg8[%get3A_457, %get3A_458] {strides = array<i32>} : memref<200x128xf32, #tpu.memory_space<vmem>>, vector<1x16xf32>,
        %get3A_460 = vector.shape_cast %get3A_459 : vector<1x16xf32> to vector<16xf32>
        %get3A_461 = arith.index_cast %scan3A_374 : i32 to index
        %get3A_462 = arith.constant 96 : index
        %get3A_463 = tpu.vector_load %arg11[%get3A_461, %get3A_462] {strides = array<i32>} : memref<200x128xf32, #tpu.memory_space<vmem>>, vector<1x16xf32>,
        %get3A_464 = vector.shape_cast %get3A_463 : vector<1x16xf32> to vector<16xf32>
        %add3A_465 = arith.addf %get3A_460, %get3A_464 : vector<16xf32>
        %swap3A_466 = arith.index_cast %scan3A_374 : i32 to index
        %swap3A_467 = arith.constant 96 : index
        %swap3A_468 = tpu.vector_load %arg8[%swap3A_466, %swap3A_467] {strides = array<i32>} : memref<200x128xf32, #tpu.memory_space<vmem>>, vector<1x16xf32>,
        %swap3A_469 = vector.shape_cast %swap3A_468 : vector<1x16xf32> to vector<16xf32>
        %swap3A_470 = vector.shape_cast %add3A_465 : vector<16xf32> to vector<1x16xf32>
        tpu.vector_store %arg8[%swap3A_466, %swap3A_467], %swap3A_470 {strides = array<i32>} : memref<200x128xf32, #tpu.memory_space<vmem>>, vector<1x16xf32>,
        %get3A_471 = arith.index_cast %scan3A_374 : i32 to index
        %get3A_472 = arith.constant 112 : index
        %get3A_473 = tpu.vector_load %arg8[%get3A_471, %get3A_472] {strides = array<i32>} : memref<200x128xf32, #tpu.memory_space<vmem>>, vector<1x16xf32>,
        %get3A_474 = vector.shape_cast %get3A_473 : vector<1x16xf32> to vector<16xf32>
        %get3A_475 = arith.index_cast %scan3A_374 : i32 to index
        %get3A_476 = arith.constant 112 : index
        %get3A_477 = tpu.vector_load %arg11[%get3A_475, %get3A_476] {strides = array<i32>} : memref<200x128xf32, #tpu.memory_space<vmem>>, vector<1x16xf32>,
        %get3A_478 = vector.shape_cast %get3A_477 : vector<1x16xf32> to vector<16xf32>
        %add3A_479 = arith.addf %get3A_474, %get3A_478 : vector<16xf32>
        %swap3A_480 = arith.index_cast %scan3A_374 : i32 to index
        %swap3A_481 = arith.constant 112 : index
        %swap3A_482 = tpu.vector_load %arg8[%swap3A_480, %swap3A_481] {strides = array<i32>} : memref<200x128xf32, #tpu.memory_space<vmem>>, vector<1x16xf32>,
        %swap3A_483 = vector.shape_cast %swap3A_482 : vector<1x16xf32> to vector<16xf32>
        %swap3A_484 = vector.shape_cast %add3A_479 : vector<16xf32> to vector<1x16xf32>
        tpu.vector_store %arg8[%swap3A_480, %swap3A_481], %swap3A_484 {strides = array<i32>} : memref<200x128xf32, #tpu.memory_space<vmem>>, vector<1x16xf32>,
      }
      %scan3A_258 = arith.constant 200 : i32
      %mul3A_259 = arith.constant 25600 : i32
      %mul3A_260 = arith.muli %add3A, %mul3A_259 : i32
      %mul3A_261 = arith.constant 200 : i32
      %mul3A_262 = arith.muli %add3A_216, %mul3A_261 : i32
      %add3A_263 = arith.addi %mul3A_260, %mul3A_262 : i32
      %dma_start3A_264 = arith.constant 0 : i32
      %dma_start3A_265 = tpu.memref_slice %arg5[%add3A_263, %dma_start3A_264] : memref<819200x128xf32, #tpu.memory_space<hbm>> -> memref<200x128xf32, #tpu.memory_space<hbm>>
      %dma_start3A_266 = arith.constant 0 : i32
      %dma_start3A_267 = tpu.memref_slice %arg5[%add3A_263, %dma_start3A_266] : memref<819200x128xf32, #tpu.memory_space<hbm>> -> memref<200x128xf32, #tpu.memory_space<hbm>>
      tpu.enqueue_dma source(%arg8 : memref<200x128xf32, #tpu.memory_space<vmem>>) target(%dma_start3A_267 : memref<200x128xf32, #tpu.memory_space<hbm>>) target_semaphore(%arg17 : memref<!tpu.dma_semaphore, #tpu.memory_space<semaphore_mem>>)
      %add3A_268 = arith.constant 2 : i32
      %add3A_269 = arith.addi %mul3A_164, %add3A_268 : i32
      %add3A_270 = arith.constant 2 : i32
      %add3A_271 = arith.addi %add3A_269, %add3A_270 : i32
      %lt3A_272 = arith.constant 128 : i32
      %lt3A_273 = arith.cmpi slt, %add3A_271, %lt3A_272 : i32
      %convert_element_type3A_274 = arith.extui %lt3A_273 : i1 to i32
      %cond3A_275 = arith.constant 0 : i32
      %cond3A_276 = arith.cmpi ne, %convert_element_type3A_274, %cond3A_275 : i32
      scf.if %cond3A_276 {
        %ge3A = arith.constant 2 : i32
        %ge3A_374 = arith.cmpi sge, %add3A_269, %ge3A : i32
        %convert_element_type3A_375 = arith.extui %ge3A_374 : i1 to i32
        %cond3A_376 = arith.constant 0 : i32
        %cond3A_377 = arith.cmpi ne, %convert_element_type3A_375, %cond3A_376 : i32
        scf.if %cond3A_377 {
          %mul3A_418 = arith.constant 25600 : i32
          %mul3A_419 = arith.muli %add3A, %mul3A_418 : i32
          %dma_wait3A_420 = arith.constant 0 : i32
          %dma_wait3A_421 = tpu.memref_slice %arg5[%mul3A_419, %dma_wait3A_420] : memref<819200x128xf32, #tpu.memory_space<hbm>> -> memref<200x128xf32, #tpu.memory_space<hbm>>
          %dma_wait3A_422 = arith.constant 0 : i32
          %dma_wait3A_423 = tpu.memref_slice %arg5[%mul3A_419, %dma_wait3A_422] : memref<819200x128xf32, #tpu.memory_space<hbm>> -> memref<200x128xf32, #tpu.memory_space<hbm>>
          tpu.wait_dma2 semaphore(%arg16 : memref<!tpu.dma_semaphore, #tpu.memory_space<semaphore_mem>>) src(%arg7 : memref<200x128xf32, #tpu.memory_space<vmem>>) dst(%dma_wait3A_423 : memref<200x128xf32, #tpu.memory_space<hbm>>)
        } else {
        }
        %dma_wait3A_378 = arith.constant 0 : i32
        %dma_wait3A_379 = arith.constant 0 : i32
        %dma_wait3A_380 = arith.constant 0 : i32
        %dma_wait3A_381 = arith.constant 0 : i32
        %dma_wait3A_382 = tpu.memref_slice %arg6[%dma_wait3A_379, %dma_wait3A_380, %dma_wait3A_381] : memref<4x2x100xi32, #tpu.memory_space<vmem>> -> memref<1x2x100xi32, #tpu.memory_space<vmem>>
        %dma_wait3A_383 = tpu.memref_squeeze %dma_wait3A_382 : memref<1x2x100xi32, #tpu.memory_space<vmem>> -> memref<2x100xi32, #tpu.memory_space<vmem>>
        %dma_wait3A_384 = arith.constant 0 : i32
        %dma_wait3A_385 = arith.constant 0 : i32
        %dma_wait3A_386 = tpu.memref_slice %arg2[%add3A, %dma_wait3A_378, %dma_wait3A_384, %dma_wait3A_385] : memref<32x128x2x100xi32, #tpu.memory_space<hbm>> -> memref<1x1x2x100xi32, #tpu.memory_space<hbm>>
        %dma_wait3A_387 = tpu.memref_squeeze %dma_wait3A_386 : memref<1x1x2x100xi32, #tpu.memory_space<hbm>> -> memref<2x100xi32, #tpu.memory_space<hbm>>
        %dma_wait3A_388 = arith.constant 0 : i32
        %dma_wait3A_389 = arith.constant 0 : i32
        %dma_wait3A_390 = tpu.memref_slice %arg6[%dma_wait3A_379, %dma_wait3A_388, %dma_wait3A_389] : memref<4x2x100xi32, #tpu.memory_space<vmem>> -> memref<1x2x100xi32, #tpu.memory_space<vmem>>
        %dma_wait3A_391 = tpu.memref_squeeze %dma_wait3A_390 : memref<1x2x100xi32, #tpu.memory_space<vmem>> -> memref<2x100xi32, #tpu.memory_space<vmem>>
        %dma_wait3A_392 = arith.constant 0 : i32
        %dma_wait3A_393 = arith.constant 0 : i32
        %dma_wait3A_394 = tpu.memref_slice %arg2[%add3A, %dma_wait3A_378, %dma_wait3A_392, %dma_wait3A_393] : memref<32x128x2x100xi32, #tpu.memory_space<hbm>> -> memref<1x1x2x100xi32, #tpu.memory_space<hbm>>
        %dma_wait3A_395 = tpu.memref_squeeze %dma_wait3A_394 : memref<1x1x2x100xi32, #tpu.memory_space<hbm>> -> memref<2x100xi32, #tpu.memory_space<hbm>>
        tpu.wait_dma2 semaphore(%arg20 : memref<!tpu.dma_semaphore, #tpu.memory_space<semaphore_mem>>) src(%dma_wait3A_395 : memref<2x100xi32, #tpu.memory_space<hbm>>) dst(%dma_wait3A_391 : memref<2x100xi32, #tpu.memory_space<vmem>>)
        %dma_start3A_396 = arith.constant 0 : i32
        %dma_start3A_397 = arith.constant 0 : i32
        %dma_start3A_398 = arith.constant 0 : i32
        %dma_start3A_399 = arith.constant 0 : i32
        %dma_start3A_400 = tpu.memref_slice %arg7[%dma_start3A_398, %dma_start3A_399] : memref<200x128xf32, #tpu.memory_space<vmem>> -> memref<100x128xf32, #tpu.memory_space<vmem>>
        %dma_start3A_401 = arith.constant 0 : i32
        %dma_start3A_402 = tpu.memref_slice %arg6[%dma_start3A_396, %dma_start3A_397, %dma_start3A_401] : memref<4x2x100xi32, #tpu.memory_space<vmem>> -> memref<1x1x100xi32, #tpu.memory_space<vmem>>
        %dma_start3A_403 = tpu.memref_squeeze %dma_start3A_402 : memref<1x1x100xi32, #tpu.memory_space<vmem>> -> memref<100xi32, #tpu.memory_space<vmem>>
        %dma_start3A_404 = arith.constant 0 : i32
        %dma_start3A_405 = arith.constant 0 : i32
        %dma_start3A_406 = tpu.memref_slice %arg3[%dma_start3A_404, %dma_start3A_405] : memref<100000x128xf32, #tpu.memory_space<hbm>> -> memref<100000x128xf32, #tpu.memory_space<hbm>>
        tpu.enqueue_indirect_dma source(%dma_start3A_406 : memref<100000x128xf32, #tpu.memory_space<hbm>>) target(%dma_start3A_400 : memref<100x128xf32, #tpu.memory_space<vmem>>) offsets(%dma_start3A_403 : memref<100xi32, #tpu.memory_space<vmem>>) semaphore(%arg12 : memref<!tpu.dma_semaphore, #tpu.memory_space<semaphore_mem>>)
        %dma_start3A_407 = arith.constant 0 : i32
        %dma_start3A_408 = arith.constant 1 : i32
        %dma_start3A_409 = arith.constant 100 : i32
        %dma_start3A_410 = arith.constant 0 : i32
        %dma_start3A_411 = tpu.memref_slice %arg7[%dma_start3A_409, %dma_start3A_410] : memref<200x128xf32, #tpu.memory_space<vmem>> -> memref<100x128xf32, #tpu.memory_space<vmem>>
        %dma_start3A_412 = arith.constant 0 : i32
        %dma_start3A_413 = tpu.memref_slice %arg6[%dma_start3A_407, %dma_start3A_408, %dma_start3A_412] : memref<4x2x100xi32, #tpu.memory_space<vmem>> -> memref<1x1x100xi32, #tpu.memory_space<vmem>>
        %dma_start3A_414 = tpu.memref_squeeze %dma_start3A_413 : memref<1x1x100xi32, #tpu.memory_space<vmem>> -> memref<100xi32, #tpu.memory_space<vmem>>
        %dma_start3A_415 = arith.constant 0 : i32
        %dma_start3A_416 = arith.constant 0 : i32
        %dma_start3A_417 = tpu.memref_slice %arg3[%dma_start3A_415, %dma_start3A_416] : memref<100000x128xf32, #tpu.memory_space<hbm>> -> memref<100000x128xf32, #tpu.memory_space<hbm>>
        tpu.enqueue_indirect_dma source(%dma_start3A_417 : memref<100000x128xf32, #tpu.memory_space<hbm>>) target(%dma_start3A_411 : memref<100x128xf32, #tpu.memory_space<vmem>>) offsets(%dma_start3A_414 : memref<100xi32, #tpu.memory_space<vmem>>) semaphore(%arg12 : memref<!tpu.dma_semaphore, #tpu.memory_space<semaphore_mem>>)
      } else {
      }
      %add3A_277 = arith.constant 3 : i32
      %add3A_278 = arith.addi %add3A_269, %add3A_277 : i32
      %lt3A_279 = arith.constant 128 : i32
      %lt3A_280 = arith.cmpi slt, %add3A_278, %lt3A_279 : i32
      %convert_element_type3A_281 = arith.extui %lt3A_280 : i1 to i32
      %cond3A_282 = arith.constant 0 : i32
      %cond3A_283 = arith.cmpi ne, %convert_element_type3A_281, %cond3A_282 : i32
      scf.if %cond3A_283 {
        %add3A_374 = arith.constant 3 : i32
        %add3A_375 = arith.addi %add3A_269, %add3A_374 : i32
        %dma_start3A_376 = arith.constant 1 : i32
        %dma_start3A_377 = arith.constant 0 : i32
        %dma_start3A_378 = arith.constant 0 : i32
        %dma_start3A_379 = tpu.memref_slice %arg6[%dma_start3A_376, %dma_start3A_377, %dma_start3A_378] : memref<4x2x100xi32, #tpu.memory_space<vmem>> -> memref<1x2x100xi32, #tpu.memory_space<vmem>>
        %dma_start3A_380 = tpu.memref_squeeze %dma_start3A_379 : memref<1x2x100xi32, #tpu.memory_space<vmem>> -> memref<2x100xi32, #tpu.memory_space<vmem>>
        %dma_start3A_381 = arith.constant 0 : i32
        %dma_start3A_382 = arith.constant 0 : i32
        %dma_start3A_383 = tpu.memref_slice %arg2[%add3A, %add3A_375, %dma_start3A_381, %dma_start3A_382] : memref<32x128x2x100xi32, #tpu.memory_space<hbm>> -> memref<1x1x2x100xi32, #tpu.memory_space<hbm>>
        %dma_start3A_384 = tpu.memref_squeeze %dma_start3A_383 : memref<1x1x2x100xi32, #tpu.memory_space<hbm>> -> memref<2x100xi32, #tpu.memory_space<hbm>>
        %dma_start3A_385 = arith.constant 0 : i32
        %dma_start3A_386 = arith.constant 0 : i32
        %dma_start3A_387 = tpu.memref_slice %arg6[%dma_start3A_376, %dma_start3A_385, %dma_start3A_386] : memref<4x2x100xi32, #tpu.memory_space<vmem>> -> memref<1x2x100xi32, #tpu.memory_space<vmem>>
        %dma_start3A_388 = tpu.memref_squeeze %dma_start3A_387 : memref<1x2x100xi32, #tpu.memory_space<vmem>> -> memref<2x100xi32, #tpu.memory_space<vmem>>
        %dma_start3A_389 = arith.constant 0 : i32
        %dma_start3A_390 = arith.constant 0 : i32
        %dma_start3A_391 = tpu.memref_slice %arg2[%add3A, %add3A_375, %dma_start3A_389, %dma_start3A_390] : memref<32x128x2x100xi32, #tpu.memory_space<hbm>> -> memref<1x1x2x100xi32, #tpu.memory_space<hbm>>
        %dma_start3A_392 = tpu.memref_squeeze %dma_start3A_391 : memref<1x1x2x100xi32, #tpu.memory_space<hbm>> -> memref<2x100xi32, #tpu.memory_space<hbm>>
        tpu.enqueue_dma source(%dma_start3A_392 : memref<2x100xi32, #tpu.memory_space<hbm>>) target(%dma_start3A_388 : memref<2x100xi32, #tpu.memory_space<vmem>>) target_semaphore(%arg21 : memref<!tpu.dma_semaphore, #tpu.memory_space<semaphore_mem>>)
      } else {
      }
      %dma_wait3A_284 = arith.constant 2 : i32
      %dma_wait3A_285 = arith.constant 0 : i32
      %dma_wait3A_286 = arith.constant 0 : i32
      %dma_wait3A_287 = arith.constant 0 : i32
      %dma_wait3A_288 = tpu.memref_slice %arg9[%dma_wait3A_286, %dma_wait3A_287] : memref<200x128xf32, #tpu.memory_space<vmem>> -> memref<100x128xf32, #tpu.memory_space<vmem>>
      %dma_wait3A_289 = arith.constant 0 : i32
      %dma_wait3A_290 = tpu.memref_slice %arg6[%dma_wait3A_284, %dma_wait3A_285, %dma_wait3A_289] : memref<4x2x100xi32, #tpu.memory_space<vmem>> -> memref<1x1x100xi32, #tpu.memory_space<vmem>>
      %dma_wait3A_291 = tpu.memref_squeeze %dma_wait3A_290 : memref<1x1x100xi32, #tpu.memory_space<vmem>> -> memref<100xi32, #tpu.memory_space<vmem>>
      %dma_wait3A_292 = arith.constant 0 : i32
      %dma_wait3A_293 = arith.constant 0 : i32
      %dma_wait3A_294 = tpu.memref_slice %arg3[%dma_wait3A_292, %dma_wait3A_293] : memref<100000x128xf32, #tpu.memory_space<hbm>> -> memref<100000x128xf32, #tpu.memory_space<hbm>>
      tpu.wait_indirect_dma semaphore(%arg14 : memref<!tpu.dma_semaphore, #tpu.memory_space<semaphore_mem>>) src(%dma_wait3A_294 : memref<100000x128xf32, #tpu.memory_space<hbm>>) dst(%dma_wait3A_288 : memref<100x128xf32, #tpu.memory_space<vmem>>)
      %dma_wait3A_295 = arith.constant 2 : i32
      %dma_wait3A_296 = arith.constant 1 : i32
      %dma_wait3A_297 = arith.constant 100 : i32
      %dma_wait3A_298 = arith.constant 0 : i32
      %dma_wait3A_299 = tpu.memref_slice %arg9[%dma_wait3A_297, %dma_wait3A_298] : memref<200x128xf32, #tpu.memory_space<vmem>> -> memref<100x128xf32, #tpu.memory_space<vmem>>
      %dma_wait3A_300 = arith.constant 0 : i32
      %dma_wait3A_301 = tpu.memref_slice %arg6[%dma_wait3A_295, %dma_wait3A_296, %dma_wait3A_300] : memref<4x2x100xi32, #tpu.memory_space<vmem>> -> memref<1x1x100xi32, #tpu.memory_space<vmem>>
      %dma_wait3A_302 = tpu.memref_squeeze %dma_wait3A_301 : memref<1x1x100xi32, #tpu.memory_space<vmem>> -> memref<100xi32, #tpu.memory_space<vmem>>
      %dma_wait3A_303 = arith.constant 0 : i32
      %dma_wait3A_304 = arith.constant 0 : i32
      %dma_wait3A_305 = tpu.memref_slice %arg3[%dma_wait3A_303, %dma_wait3A_304] : memref<100000x128xf32, #tpu.memory_space<hbm>> -> memref<100000x128xf32, #tpu.memory_space<hbm>>
      tpu.wait_indirect_dma semaphore(%arg14 : memref<!tpu.dma_semaphore, #tpu.memory_space<semaphore_mem>>) src(%dma_wait3A_305 : memref<100000x128xf32, #tpu.memory_space<hbm>>) dst(%dma_wait3A_299 : memref<100x128xf32, #tpu.memory_space<vmem>>)
      %scan3A_306 = arith.constant 0 : i32
      %scan3A_307 = arith.constant 0 : i32
      %scan3A_308 = arith.constant 200 : i32
      %scan3A_309 = arith.addi %scan3A_307, %scan3A_308 : i32
      %scan3A_310 = arith.constant 1 : i32
      scf.for %scan3A_374 = %scan3A_307 to %scan3A_309 step %scan3A_310  : i32 {
        %get3A = arith.index_cast %scan3A_374 : i32 to index
        %get3A_375 = arith.constant 0 : index
        %get3A_376 = tpu.vector_load %arg9[%get3A, %get3A_375] {strides = array<i32>} : memref<200x128xf32, #tpu.memory_space<vmem>>, vector<1x16xf32>,
        %get3A_377 = vector.shape_cast %get3A_376 : vector<1x16xf32> to vector<16xf32>
        %get3A_378 = arith.index_cast %scan3A_374 : i32 to index
        %get3A_379 = arith.constant 0 : index
        %get3A_380 = tpu.vector_load %arg11[%get3A_378, %get3A_379] {strides = array<i32>} : memref<200x128xf32, #tpu.memory_space<vmem>>, vector<1x16xf32>,
        %get3A_381 = vector.shape_cast %get3A_380 : vector<1x16xf32> to vector<16xf32>
        %add3A_382 = arith.addf %get3A_377, %get3A_381 : vector<16xf32>
        %swap3A = arith.index_cast %scan3A_374 : i32 to index
        %swap3A_383 = arith.constant 0 : index
        %swap3A_384 = tpu.vector_load %arg9[%swap3A, %swap3A_383] {strides = array<i32>} : memref<200x128xf32, #tpu.memory_space<vmem>>, vector<1x16xf32>,
        %swap3A_385 = vector.shape_cast %swap3A_384 : vector<1x16xf32> to vector<16xf32>
        %swap3A_386 = vector.shape_cast %add3A_382 : vector<16xf32> to vector<1x16xf32>
        tpu.vector_store %arg9[%swap3A, %swap3A_383], %swap3A_386 {strides = array<i32>} : memref<200x128xf32, #tpu.memory_space<vmem>>, vector<1x16xf32>,
        %get3A_387 = arith.index_cast %scan3A_374 : i32 to index
        %get3A_388 = arith.constant 16 : index
        %get3A_389 = tpu.vector_load %arg9[%get3A_387, %get3A_388] {strides = array<i32>} : memref<200x128xf32, #tpu.memory_space<vmem>>, vector<1x16xf32>,
        %get3A_390 = vector.shape_cast %get3A_389 : vector<1x16xf32> to vector<16xf32>
        %get3A_391 = arith.index_cast %scan3A_374 : i32 to index
        %get3A_392 = arith.constant 16 : index
        %get3A_393 = tpu.vector_load %arg11[%get3A_391, %get3A_392] {strides = array<i32>} : memref<200x128xf32, #tpu.memory_space<vmem>>, vector<1x16xf32>,
        %get3A_394 = vector.shape_cast %get3A_393 : vector<1x16xf32> to vector<16xf32>
        %add3A_395 = arith.addf %get3A_390, %get3A_394 : vector<16xf32>
        %swap3A_396 = arith.index_cast %scan3A_374 : i32 to index
        %swap3A_397 = arith.constant 16 : index
        %swap3A_398 = tpu.vector_load %arg9[%swap3A_396, %swap3A_397] {strides = array<i32>} : memref<200x128xf32, #tpu.memory_space<vmem>>, vector<1x16xf32>,
        %swap3A_399 = vector.shape_cast %swap3A_398 : vector<1x16xf32> to vector<16xf32>
        %swap3A_400 = vector.shape_cast %add3A_395 : vector<16xf32> to vector<1x16xf32>
        tpu.vector_store %arg9[%swap3A_396, %swap3A_397], %swap3A_400 {strides = array<i32>} : memref<200x128xf32, #tpu.memory_space<vmem>>, vector<1x16xf32>,
        %get3A_401 = arith.index_cast %scan3A_374 : i32 to index
        %get3A_402 = arith.constant 32 : index
        %get3A_403 = tpu.vector_load %arg9[%get3A_401, %get3A_402] {strides = array<i32>} : memref<200x128xf32, #tpu.memory_space<vmem>>, vector<1x16xf32>,
        %get3A_404 = vector.shape_cast %get3A_403 : vector<1x16xf32> to vector<16xf32>
        %get3A_405 = arith.index_cast %scan3A_374 : i32 to index
        %get3A_406 = arith.constant 32 : index
        %get3A_407 = tpu.vector_load %arg11[%get3A_405, %get3A_406] {strides = array<i32>} : memref<200x128xf32, #tpu.memory_space<vmem>>, vector<1x16xf32>,
        %get3A_408 = vector.shape_cast %get3A_407 : vector<1x16xf32> to vector<16xf32>
        %add3A_409 = arith.addf %get3A_404, %get3A_408 : vector<16xf32>
        %swap3A_410 = arith.index_cast %scan3A_374 : i32 to index
        %swap3A_411 = arith.constant 32 : index
        %swap3A_412 = tpu.vector_load %arg9[%swap3A_410, %swap3A_411] {strides = array<i32>} : memref<200x128xf32, #tpu.memory_space<vmem>>, vector<1x16xf32>,
        %swap3A_413 = vector.shape_cast %swap3A_412 : vector<1x16xf32> to vector<16xf32>
        %swap3A_414 = vector.shape_cast %add3A_409 : vector<16xf32> to vector<1x16xf32>
        tpu.vector_store %arg9[%swap3A_410, %swap3A_411], %swap3A_414 {strides = array<i32>} : memref<200x128xf32, #tpu.memory_space<vmem>>, vector<1x16xf32>,
        %get3A_415 = arith.index_cast %scan3A_374 : i32 to index
        %get3A_416 = arith.constant 48 : index
        %get3A_417 = tpu.vector_load %arg9[%get3A_415, %get3A_416] {strides = array<i32>} : memref<200x128xf32, #tpu.memory_space<vmem>>, vector<1x16xf32>,
        %get3A_418 = vector.shape_cast %get3A_417 : vector<1x16xf32> to vector<16xf32>
        %get3A_419 = arith.index_cast %scan3A_374 : i32 to index
        %get3A_420 = arith.constant 48 : index
        %get3A_421 = tpu.vector_load %arg11[%get3A_419, %get3A_420] {strides = array<i32>} : memref<200x128xf32, #tpu.memory_space<vmem>>, vector<1x16xf32>,
        %get3A_422 = vector.shape_cast %get3A_421 : vector<1x16xf32> to vector<16xf32>
        %add3A_423 = arith.addf %get3A_418, %get3A_422 : vector<16xf32>
        %swap3A_424 = arith.index_cast %scan3A_374 : i32 to index
        %swap3A_425 = arith.constant 48 : index
        %swap3A_426 = tpu.vector_load %arg9[%swap3A_424, %swap3A_425] {strides = array<i32>} : memref<200x128xf32, #tpu.memory_space<vmem>>, vector<1x16xf32>,
        %swap3A_427 = vector.shape_cast %swap3A_426 : vector<1x16xf32> to vector<16xf32>
        %swap3A_428 = vector.shape_cast %add3A_423 : vector<16xf32> to vector<1x16xf32>
        tpu.vector_store %arg9[%swap3A_424, %swap3A_425], %swap3A_428 {strides = array<i32>} : memref<200x128xf32, #tpu.memory_space<vmem>>, vector<1x16xf32>,
        %get3A_429 = arith.index_cast %scan3A_374 : i32 to index
        %get3A_430 = arith.constant 64 : index
        %get3A_431 = tpu.vector_load %arg9[%get3A_429, %get3A_430] {strides = array<i32>} : memref<200x128xf32, #tpu.memory_space<vmem>>, vector<1x16xf32>,
        %get3A_432 = vector.shape_cast %get3A_431 : vector<1x16xf32> to vector<16xf32>
        %get3A_433 = arith.index_cast %scan3A_374 : i32 to index
        %get3A_434 = arith.constant 64 : index
        %get3A_435 = tpu.vector_load %arg11[%get3A_433, %get3A_434] {strides = array<i32>} : memref<200x128xf32, #tpu.memory_space<vmem>>, vector<1x16xf32>,
        %get3A_436 = vector.shape_cast %get3A_435 : vector<1x16xf32> to vector<16xf32>
        %add3A_437 = arith.addf %get3A_432, %get3A_436 : vector<16xf32>
        %swap3A_438 = arith.index_cast %scan3A_374 : i32 to index
        %swap3A_439 = arith.constant 64 : index
        %swap3A_440 = tpu.vector_load %arg9[%swap3A_438, %swap3A_439] {strides = array<i32>} : memref<200x128xf32, #tpu.memory_space<vmem>>, vector<1x16xf32>,
        %swap3A_441 = vector.shape_cast %swap3A_440 : vector<1x16xf32> to vector<16xf32>
        %swap3A_442 = vector.shape_cast %add3A_437 : vector<16xf32> to vector<1x16xf32>
        tpu.vector_store %arg9[%swap3A_438, %swap3A_439], %swap3A_442 {strides = array<i32>} : memref<200x128xf32, #tpu.memory_space<vmem>>, vector<1x16xf32>,
        %get3A_443 = arith.index_cast %scan3A_374 : i32 to index
        %get3A_444 = arith.constant 80 : index
        %get3A_445 = tpu.vector_load %arg9[%get3A_443, %get3A_444] {strides = array<i32>} : memref<200x128xf32, #tpu.memory_space<vmem>>, vector<1x16xf32>,
        %get3A_446 = vector.shape_cast %get3A_445 : vector<1x16xf32> to vector<16xf32>
        %get3A_447 = arith.index_cast %scan3A_374 : i32 to index
        %get3A_448 = arith.constant 80 : index
        %get3A_449 = tpu.vector_load %arg11[%get3A_447, %get3A_448] {strides = array<i32>} : memref<200x128xf32, #tpu.memory_space<vmem>>, vector<1x16xf32>,
        %get3A_450 = vector.shape_cast %get3A_449 : vector<1x16xf32> to vector<16xf32>
        %add3A_451 = arith.addf %get3A_446, %get3A_450 : vector<16xf32>
        %swap3A_452 = arith.index_cast %scan3A_374 : i32 to index
        %swap3A_453 = arith.constant 80 : index
        %swap3A_454 = tpu.vector_load %arg9[%swap3A_452, %swap3A_453] {strides = array<i32>} : memref<200x128xf32, #tpu.memory_space<vmem>>, vector<1x16xf32>,
        %swap3A_455 = vector.shape_cast %swap3A_454 : vector<1x16xf32> to vector<16xf32>
        %swap3A_456 = vector.shape_cast %add3A_451 : vector<16xf32> to vector<1x16xf32>
        tpu.vector_store %arg9[%swap3A_452, %swap3A_453], %swap3A_456 {strides = array<i32>} : memref<200x128xf32, #tpu.memory_space<vmem>>, vector<1x16xf32>,
        %get3A_457 = arith.index_cast %scan3A_374 : i32 to index
        %get3A_458 = arith.constant 96 : index
        %get3A_459 = tpu.vector_load %arg9[%get3A_457, %get3A_458] {strides = array<i32>} : memref<200x128xf32, #tpu.memory_space<vmem>>, vector<1x16xf32>,
        %get3A_460 = vector.shape_cast %get3A_459 : vector<1x16xf32> to vector<16xf32>
        %get3A_461 = arith.index_cast %scan3A_374 : i32 to index
        %get3A_462 = arith.constant 96 : index
        %get3A_463 = tpu.vector_load %arg11[%get3A_461, %get3A_462] {strides = array<i32>} : memref<200x128xf32, #tpu.memory_space<vmem>>, vector<1x16xf32>,
        %get3A_464 = vector.shape_cast %get3A_463 : vector<1x16xf32> to vector<16xf32>
        %add3A_465 = arith.addf %get3A_460, %get3A_464 : vector<16xf32>
        %swap3A_466 = arith.index_cast %scan3A_374 : i32 to index
        %swap3A_467 = arith.constant 96 : index
        %swap3A_468 = tpu.vector_load %arg9[%swap3A_466, %swap3A_467] {strides = array<i32>} : memref<200x128xf32, #tpu.memory_space<vmem>>, vector<1x16xf32>,
        %swap3A_469 = vector.shape_cast %swap3A_468 : vector<1x16xf32> to vector<16xf32>
        %swap3A_470 = vector.shape_cast %add3A_465 : vector<16xf32> to vector<1x16xf32>
        tpu.vector_store %arg9[%swap3A_466, %swap3A_467], %swap3A_470 {strides = array<i32>} : memref<200x128xf32, #tpu.memory_space<vmem>>, vector<1x16xf32>,
        %get3A_471 = arith.index_cast %scan3A_374 : i32 to index
        %get3A_472 = arith.constant 112 : index
        %get3A_473 = tpu.vector_load %arg9[%get3A_471, %get3A_472] {strides = array<i32>} : memref<200x128xf32, #tpu.memory_space<vmem>>, vector<1x16xf32>,
        %get3A_474 = vector.shape_cast %get3A_473 : vector<1x16xf32> to vector<16xf32>
        %get3A_475 = arith.index_cast %scan3A_374 : i32 to index
        %get3A_476 = arith.constant 112 : index
        %get3A_477 = tpu.vector_load %arg11[%get3A_475, %get3A_476] {strides = array<i32>} : memref<200x128xf32, #tpu.memory_space<vmem>>, vector<1x16xf32>,
        %get3A_478 = vector.shape_cast %get3A_477 : vector<1x16xf32> to vector<16xf32>
        %add3A_479 = arith.addf %get3A_474, %get3A_478 : vector<16xf32>
        %swap3A_480 = arith.index_cast %scan3A_374 : i32 to index
        %swap3A_481 = arith.constant 112 : index
        %swap3A_482 = tpu.vector_load %arg9[%swap3A_480, %swap3A_481] {strides = array<i32>} : memref<200x128xf32, #tpu.memory_space<vmem>>, vector<1x16xf32>,
        %swap3A_483 = vector.shape_cast %swap3A_482 : vector<1x16xf32> to vector<16xf32>
        %swap3A_484 = vector.shape_cast %add3A_479 : vector<16xf32> to vector<1x16xf32>
        tpu.vector_store %arg9[%swap3A_480, %swap3A_481], %swap3A_484 {strides = array<i32>} : memref<200x128xf32, #tpu.memory_space<vmem>>, vector<1x16xf32>,
      }
      %scan3A_311 = arith.constant 200 : i32
      %mul3A_312 = arith.constant 25600 : i32
      %mul3A_313 = arith.muli %add3A, %mul3A_312 : i32
      %mul3A_314 = arith.constant 200 : i32
      %mul3A_315 = arith.muli %add3A_269, %mul3A_314 : i32
      %add3A_316 = arith.addi %mul3A_313, %mul3A_315 : i32
      %dma_start3A_317 = arith.constant 0 : i32
      %dma_start3A_318 = tpu.memref_slice %arg5[%add3A_316, %dma_start3A_317] : memref<819200x128xf32, #tpu.memory_space<hbm>> -> memref<200x128xf32, #tpu.memory_space<hbm>>
      %dma_start3A_319 = arith.constant 0 : i32
      %dma_start3A_320 = tpu.memref_slice %arg5[%add3A_316, %dma_start3A_319] : memref<819200x128xf32, #tpu.memory_space<hbm>> -> memref<200x128xf32, #tpu.memory_space<hbm>>
      tpu.enqueue_dma source(%arg9 : memref<200x128xf32, #tpu.memory_space<vmem>>) target(%dma_start3A_320 : memref<200x128xf32, #tpu.memory_space<hbm>>) target_semaphore(%arg18 : memref<!tpu.dma_semaphore, #tpu.memory_space<semaphore_mem>>)
      %add3A_321 = arith.constant 3 : i32
      %add3A_322 = arith.addi %mul3A_164, %add3A_321 : i32
      %add3A_323 = arith.constant 2 : i32
      %add3A_324 = arith.addi %add3A_322, %add3A_323 : i32
      %lt3A_325 = arith.constant 128 : i32
      %lt3A_326 = arith.cmpi slt, %add3A_324, %lt3A_325 : i32
      %convert_element_type3A_327 = arith.extui %lt3A_326 : i1 to i32
      %cond3A_328 = arith.constant 0 : i32
      %cond3A_329 = arith.cmpi ne, %convert_element_type3A_327, %cond3A_328 : i32
      scf.if %cond3A_329 {
        %ge3A = arith.constant 2 : i32
        %ge3A_374 = arith.cmpi sge, %add3A_322, %ge3A : i32
        %convert_element_type3A_375 = arith.extui %ge3A_374 : i1 to i32
        %cond3A_376 = arith.constant 0 : i32
        %cond3A_377 = arith.cmpi ne, %convert_element_type3A_375, %cond3A_376 : i32
        scf.if %cond3A_377 {
          %mul3A_418 = arith.constant 25600 : i32
          %mul3A_419 = arith.muli %add3A, %mul3A_418 : i32
          %dma_wait3A_420 = arith.constant 0 : i32
          %dma_wait3A_421 = tpu.memref_slice %arg5[%mul3A_419, %dma_wait3A_420] : memref<819200x128xf32, #tpu.memory_space<hbm>> -> memref<200x128xf32, #tpu.memory_space<hbm>>
          %dma_wait3A_422 = arith.constant 0 : i32
          %dma_wait3A_423 = tpu.memref_slice %arg5[%mul3A_419, %dma_wait3A_422] : memref<819200x128xf32, #tpu.memory_space<hbm>> -> memref<200x128xf32, #tpu.memory_space<hbm>>
          tpu.wait_dma2 semaphore(%arg17 : memref<!tpu.dma_semaphore, #tpu.memory_space<semaphore_mem>>) src(%arg8 : memref<200x128xf32, #tpu.memory_space<vmem>>) dst(%dma_wait3A_423 : memref<200x128xf32, #tpu.memory_space<hbm>>)
        } else {
        }
        %dma_wait3A_378 = arith.constant 0 : i32
        %dma_wait3A_379 = arith.constant 1 : i32
        %dma_wait3A_380 = arith.constant 0 : i32
        %dma_wait3A_381 = arith.constant 0 : i32
        %dma_wait3A_382 = tpu.memref_slice %arg6[%dma_wait3A_379, %dma_wait3A_380, %dma_wait3A_381] : memref<4x2x100xi32, #tpu.memory_space<vmem>> -> memref<1x2x100xi32, #tpu.memory_space<vmem>>
        %dma_wait3A_383 = tpu.memref_squeeze %dma_wait3A_382 : memref<1x2x100xi32, #tpu.memory_space<vmem>> -> memref<2x100xi32, #tpu.memory_space<vmem>>
        %dma_wait3A_384 = arith.constant 0 : i32
        %dma_wait3A_385 = arith.constant 0 : i32
        %dma_wait3A_386 = tpu.memref_slice %arg2[%add3A, %dma_wait3A_378, %dma_wait3A_384, %dma_wait3A_385] : memref<32x128x2x100xi32, #tpu.memory_space<hbm>> -> memref<1x1x2x100xi32, #tpu.memory_space<hbm>>
        %dma_wait3A_387 = tpu.memref_squeeze %dma_wait3A_386 : memref<1x1x2x100xi32, #tpu.memory_space<hbm>> -> memref<2x100xi32, #tpu.memory_space<hbm>>
        %dma_wait3A_388 = arith.constant 0 : i32
        %dma_wait3A_389 = arith.constant 0 : i32
        %dma_wait3A_390 = tpu.memref_slice %arg6[%dma_wait3A_379, %dma_wait3A_388, %dma_wait3A_389] : memref<4x2x100xi32, #tpu.memory_space<vmem>> -> memref<1x2x100xi32, #tpu.memory_space<vmem>>
        %dma_wait3A_391 = tpu.memref_squeeze %dma_wait3A_390 : memref<1x2x100xi32, #tpu.memory_space<vmem>> -> memref<2x100xi32, #tpu.memory_space<vmem>>
        %dma_wait3A_392 = arith.constant 0 : i32
        %dma_wait3A_393 = arith.constant 0 : i32
        %dma_wait3A_394 = tpu.memref_slice %arg2[%add3A, %dma_wait3A_378, %dma_wait3A_392, %dma_wait3A_393] : memref<32x128x2x100xi32, #tpu.memory_space<hbm>> -> memref<1x1x2x100xi32, #tpu.memory_space<hbm>>
        %dma_wait3A_395 = tpu.memref_squeeze %dma_wait3A_394 : memref<1x1x2x100xi32, #tpu.memory_space<hbm>> -> memref<2x100xi32, #tpu.memory_space<hbm>>
        tpu.wait_dma2 semaphore(%arg21 : memref<!tpu.dma_semaphore, #tpu.memory_space<semaphore_mem>>) src(%dma_wait3A_395 : memref<2x100xi32, #tpu.memory_space<hbm>>) dst(%dma_wait3A_391 : memref<2x100xi32, #tpu.memory_space<vmem>>)
        %dma_start3A_396 = arith.constant 1 : i32
        %dma_start3A_397 = arith.constant 0 : i32
        %dma_start3A_398 = arith.constant 0 : i32
        %dma_start3A_399 = arith.constant 0 : i32
        %dma_start3A_400 = tpu.memref_slice %arg8[%dma_start3A_398, %dma_start3A_399] : memref<200x128xf32, #tpu.memory_space<vmem>> -> memref<100x128xf32, #tpu.memory_space<vmem>>
        %dma_start3A_401 = arith.constant 0 : i32
        %dma_start3A_402 = tpu.memref_slice %arg6[%dma_start3A_396, %dma_start3A_397, %dma_start3A_401] : memref<4x2x100xi32, #tpu.memory_space<vmem>> -> memref<1x1x100xi32, #tpu.memory_space<vmem>>
        %dma_start3A_403 = tpu.memref_squeeze %dma_start3A_402 : memref<1x1x100xi32, #tpu.memory_space<vmem>> -> memref<100xi32, #tpu.memory_space<vmem>>
        %dma_start3A_404 = arith.constant 0 : i32
        %dma_start3A_405 = arith.constant 0 : i32
        %dma_start3A_406 = tpu.memref_slice %arg3[%dma_start3A_404, %dma_start3A_405] : memref<100000x128xf32, #tpu.memory_space<hbm>> -> memref<100000x128xf32, #tpu.memory_space<hbm>>
        tpu.enqueue_indirect_dma source(%dma_start3A_406 : memref<100000x128xf32, #tpu.memory_space<hbm>>) target(%dma_start3A_400 : memref<100x128xf32, #tpu.memory_space<vmem>>) offsets(%dma_start3A_403 : memref<100xi32, #tpu.memory_space<vmem>>) semaphore(%arg13 : memref<!tpu.dma_semaphore, #tpu.memory_space<semaphore_mem>>)
        %dma_start3A_407 = arith.constant 1 : i32
        %dma_start3A_408 = arith.constant 1 : i32
        %dma_start3A_409 = arith.constant 100 : i32
        %dma_start3A_410 = arith.constant 0 : i32
        %dma_start3A_411 = tpu.memref_slice %arg8[%dma_start3A_409, %dma_start3A_410] : memref<200x128xf32, #tpu.memory_space<vmem>> -> memref<100x128xf32, #tpu.memory_space<vmem>>
        %dma_start3A_412 = arith.constant 0 : i32
        %dma_start3A_413 = tpu.memref_slice %arg6[%dma_start3A_407, %dma_start3A_408, %dma_start3A_412] : memref<4x2x100xi32, #tpu.memory_space<vmem>> -> memref<1x1x100xi32, #tpu.memory_space<vmem>>
        %dma_start3A_414 = tpu.memref_squeeze %dma_start3A_413 : memref<1x1x100xi32, #tpu.memory_space<vmem>> -> memref<100xi32, #tpu.memory_space<vmem>>
        %dma_start3A_415 = arith.constant 0 : i32
        %dma_start3A_416 = arith.constant 0 : i32
        %dma_start3A_417 = tpu.memref_slice %arg3[%dma_start3A_415, %dma_start3A_416] : memref<100000x128xf32, #tpu.memory_space<hbm>> -> memref<100000x128xf32, #tpu.memory_space<hbm>>
        tpu.enqueue_indirect_dma source(%dma_start3A_417 : memref<100000x128xf32, #tpu.memory_space<hbm>>) target(%dma_start3A_411 : memref<100x128xf32, #tpu.memory_space<vmem>>) offsets(%dma_start3A_414 : memref<100xi32, #tpu.memory_space<vmem>>) semaphore(%arg13 : memref<!tpu.dma_semaphore, #tpu.memory_space<semaphore_mem>>)
      } else {
      }
      %add3A_330 = arith.constant 3 : i32
      %add3A_331 = arith.addi %add3A_322, %add3A_330 : i32
      %lt3A_332 = arith.constant 128 : i32
      %lt3A_333 = arith.cmpi slt, %add3A_331, %lt3A_332 : i32
      %convert_element_type3A_334 = arith.extui %lt3A_333 : i1 to i32
      %cond3A_335 = arith.constant 0 : i32
      %cond3A_336 = arith.cmpi ne, %convert_element_type3A_334, %cond3A_335 : i32
      scf.if %cond3A_336 {
        %add3A_374 = arith.constant 3 : i32
        %add3A_375 = arith.addi %add3A_322, %add3A_374 : i32
        %dma_start3A_376 = arith.constant 2 : i32
        %dma_start3A_377 = arith.constant 0 : i32
        %dma_start3A_378 = arith.constant 0 : i32
        %dma_start3A_379 = tpu.memref_slice %arg6[%dma_start3A_376, %dma_start3A_377, %dma_start3A_378] : memref<4x2x100xi32, #tpu.memory_space<vmem>> -> memref<1x2x100xi32, #tpu.memory_space<vmem>>
        %dma_start3A_380 = tpu.memref_squeeze %dma_start3A_379 : memref<1x2x100xi32, #tpu.memory_space<vmem>> -> memref<2x100xi32, #tpu.memory_space<vmem>>
        %dma_start3A_381 = arith.constant 0 : i32
        %dma_start3A_382 = arith.constant 0 : i32
        %dma_start3A_383 = tpu.memref_slice %arg2[%add3A, %add3A_375, %dma_start3A_381, %dma_start3A_382] : memref<32x128x2x100xi32, #tpu.memory_space<hbm>> -> memref<1x1x2x100xi32, #tpu.memory_space<hbm>>
        %dma_start3A_384 = tpu.memref_squeeze %dma_start3A_383 : memref<1x1x2x100xi32, #tpu.memory_space<hbm>> -> memref<2x100xi32, #tpu.memory_space<hbm>>
        %dma_start3A_385 = arith.constant 0 : i32
        %dma_start3A_386 = arith.constant 0 : i32
        %dma_start3A_387 = tpu.memref_slice %arg6[%dma_start3A_376, %dma_start3A_385, %dma_start3A_386] : memref<4x2x100xi32, #tpu.memory_space<vmem>> -> memref<1x2x100xi32, #tpu.memory_space<vmem>>
        %dma_start3A_388 = tpu.memref_squeeze %dma_start3A_387 : memref<1x2x100xi32, #tpu.memory_space<vmem>> -> memref<2x100xi32, #tpu.memory_space<vmem>>
        %dma_start3A_389 = arith.constant 0 : i32
        %dma_start3A_390 = arith.constant 0 : i32
        %dma_start3A_391 = tpu.memref_slice %arg2[%add3A, %add3A_375, %dma_start3A_389, %dma_start3A_390] : memref<32x128x2x100xi32, #tpu.memory_space<hbm>> -> memref<1x1x2x100xi32, #tpu.memory_space<hbm>>
        %dma_start3A_392 = tpu.memref_squeeze %dma_start3A_391 : memref<1x1x2x100xi32, #tpu.memory_space<hbm>> -> memref<2x100xi32, #tpu.memory_space<hbm>>
        tpu.enqueue_dma source(%dma_start3A_392 : memref<2x100xi32, #tpu.memory_space<hbm>>) target(%dma_start3A_388 : memref<2x100xi32, #tpu.memory_space<vmem>>) target_semaphore(%arg22 : memref<!tpu.dma_semaphore, #tpu.memory_space<semaphore_mem>>)
      } else {
      }
      %dma_wait3A_337 = arith.constant 3 : i32
      %dma_wait3A_338 = arith.constant 0 : i32
      %dma_wait3A_339 = arith.constant 0 : i32
      %dma_wait3A_340 = arith.constant 0 : i32
      %dma_wait3A_341 = tpu.memref_slice %arg10[%dma_wait3A_339, %dma_wait3A_340] : memref<200x128xf32, #tpu.memory_space<vmem>> -> memref<100x128xf32, #tpu.memory_space<vmem>>
      %dma_wait3A_342 = arith.constant 0 : i32
      %dma_wait3A_343 = tpu.memref_slice %arg6[%dma_wait3A_337, %dma_wait3A_338, %dma_wait3A_342] : memref<4x2x100xi32, #tpu.memory_space<vmem>> -> memref<1x1x100xi32, #tpu.memory_space<vmem>>
      %dma_wait3A_344 = tpu.memref_squeeze %dma_wait3A_343 : memref<1x1x100xi32, #tpu.memory_space<vmem>> -> memref<100xi32, #tpu.memory_space<vmem>>
      %dma_wait3A_345 = arith.constant 0 : i32
      %dma_wait3A_346 = arith.constant 0 : i32
      %dma_wait3A_347 = tpu.memref_slice %arg3[%dma_wait3A_345, %dma_wait3A_346] : memref<100000x128xf32, #tpu.memory_space<hbm>> -> memref<100000x128xf32, #tpu.memory_space<hbm>>
      tpu.wait_indirect_dma semaphore(%arg15 : memref<!tpu.dma_semaphore, #tpu.memory_space<semaphore_mem>>) src(%dma_wait3A_347 : memref<100000x128xf32, #tpu.memory_space<hbm>>) dst(%dma_wait3A_341 : memref<100x128xf32, #tpu.memory_space<vmem>>)
      %dma_wait3A_348 = arith.constant 3 : i32
      %dma_wait3A_349 = arith.constant 1 : i32
      %dma_wait3A_350 = arith.constant 100 : i32
      %dma_wait3A_351 = arith.constant 0 : i32
      %dma_wait3A_352 = tpu.memref_slice %arg10[%dma_wait3A_350, %dma_wait3A_351] : memref<200x128xf32, #tpu.memory_space<vmem>> -> memref<100x128xf32, #tpu.memory_space<vmem>>
      %dma_wait3A_353 = arith.constant 0 : i32
      %dma_wait3A_354 = tpu.memref_slice %arg6[%dma_wait3A_348, %dma_wait3A_349, %dma_wait3A_353] : memref<4x2x100xi32, #tpu.memory_space<vmem>> -> memref<1x1x100xi32, #tpu.memory_space<vmem>>
      %dma_wait3A_355 = tpu.memref_squeeze %dma_wait3A_354 : memref<1x1x100xi32, #tpu.memory_space<vmem>> -> memref<100xi32, #tpu.memory_space<vmem>>
      %dma_wait3A_356 = arith.constant 0 : i32
      %dma_wait3A_357 = arith.constant 0 : i32
      %dma_wait3A_358 = tpu.memref_slice %arg3[%dma_wait3A_356, %dma_wait3A_357] : memref<100000x128xf32, #tpu.memory_space<hbm>> -> memref<100000x128xf32, #tpu.memory_space<hbm>>
      tpu.wait_indirect_dma semaphore(%arg15 : memref<!tpu.dma_semaphore, #tpu.memory_space<semaphore_mem>>) src(%dma_wait3A_358 : memref<100000x128xf32, #tpu.memory_space<hbm>>) dst(%dma_wait3A_352 : memref<100x128xf32, #tpu.memory_space<vmem>>)
      %scan3A_359 = arith.constant 0 : i32
      %scan3A_360 = arith.constant 0 : i32
      %scan3A_361 = arith.constant 200 : i32
      %scan3A_362 = arith.addi %scan3A_360, %scan3A_361 : i32
      %scan3A_363 = arith.constant 1 : i32
      scf.for %scan3A_374 = %scan3A_360 to %scan3A_362 step %scan3A_363  : i32 {
        %get3A = arith.index_cast %scan3A_374 : i32 to index
        %get3A_375 = arith.constant 0 : index
        %get3A_376 = tpu.vector_load %arg10[%get3A, %get3A_375] {strides = array<i32>} : memref<200x128xf32, #tpu.memory_space<vmem>>, vector<1x16xf32>,
        %get3A_377 = vector.shape_cast %get3A_376 : vector<1x16xf32> to vector<16xf32>
        %get3A_378 = arith.index_cast %scan3A_374 : i32 to index
        %get3A_379 = arith.constant 0 : index
        %get3A_380 = tpu.vector_load %arg11[%get3A_378, %get3A_379] {strides = array<i32>} : memref<200x128xf32, #tpu.memory_space<vmem>>, vector<1x16xf32>,
        %get3A_381 = vector.shape_cast %get3A_380 : vector<1x16xf32> to vector<16xf32>
        %add3A_382 = arith.addf %get3A_377, %get3A_381 : vector<16xf32>
        %swap3A = arith.index_cast %scan3A_374 : i32 to index
        %swap3A_383 = arith.constant 0 : index
        %swap3A_384 = tpu.vector_load %arg10[%swap3A, %swap3A_383] {strides = array<i32>} : memref<200x128xf32, #tpu.memory_space<vmem>>, vector<1x16xf32>,
        %swap3A_385 = vector.shape_cast %swap3A_384 : vector<1x16xf32> to vector<16xf32>
        %swap3A_386 = vector.shape_cast %add3A_382 : vector<16xf32> to vector<1x16xf32>
        tpu.vector_store %arg10[%swap3A, %swap3A_383], %swap3A_386 {strides = array<i32>} : memref<200x128xf32, #tpu.memory_space<vmem>>, vector<1x16xf32>,
        %get3A_387 = arith.index_cast %scan3A_374 : i32 to index
        %get3A_388 = arith.constant 16 : index
        %get3A_389 = tpu.vector_load %arg10[%get3A_387, %get3A_388] {strides = array<i32>} : memref<200x128xf32, #tpu.memory_space<vmem>>, vector<1x16xf32>,
        %get3A_390 = vector.shape_cast %get3A_389 : vector<1x16xf32> to vector<16xf32>
        %get3A_391 = arith.index_cast %scan3A_374 : i32 to index
        %get3A_392 = arith.constant 16 : index
        %get3A_393 = tpu.vector_load %arg11[%get3A_391, %get3A_392] {strides = array<i32>} : memref<200x128xf32, #tpu.memory_space<vmem>>, vector<1x16xf32>,
        %get3A_394 = vector.shape_cast %get3A_393 : vector<1x16xf32> to vector<16xf32>
        %add3A_395 = arith.addf %get3A_390, %get3A_394 : vector<16xf32>
        %swap3A_396 = arith.index_cast %scan3A_374 : i32 to index
        %swap3A_397 = arith.constant 16 : index
        %swap3A_398 = tpu.vector_load %arg10[%swap3A_396, %swap3A_397] {strides = array<i32>} : memref<200x128xf32, #tpu.memory_space<vmem>>, vector<1x16xf32>,
        %swap3A_399 = vector.shape_cast %swap3A_398 : vector<1x16xf32> to vector<16xf32>
        %swap3A_400 = vector.shape_cast %add3A_395 : vector<16xf32> to vector<1x16xf32>
        tpu.vector_store %arg10[%swap3A_396, %swap3A_397], %swap3A_400 {strides = array<i32>} : memref<200x128xf32, #tpu.memory_space<vmem>>, vector<1x16xf32>,
        %get3A_401 = arith.index_cast %scan3A_374 : i32 to index
        %get3A_402 = arith.constant 32 : index
        %get3A_403 = tpu.vector_load %arg10[%get3A_401, %get3A_402] {strides = array<i32>} : memref<200x128xf32, #tpu.memory_space<vmem>>, vector<1x16xf32>,
        %get3A_404 = vector.shape_cast %get3A_403 : vector<1x16xf32> to vector<16xf32>
        %get3A_405 = arith.index_cast %scan3A_374 : i32 to index
        %get3A_406 = arith.constant 32 : index
        %get3A_407 = tpu.vector_load %arg11[%get3A_405, %get3A_406] {strides = array<i32>} : memref<200x128xf32, #tpu.memory_space<vmem>>, vector<1x16xf32>,
        %get3A_408 = vector.shape_cast %get3A_407 : vector<1x16xf32> to vector<16xf32>
        %add3A_409 = arith.addf %get3A_404, %get3A_408 : vector<16xf32>
        %swap3A_410 = arith.index_cast %scan3A_374 : i32 to index
        %swap3A_411 = arith.constant 32 : index
        %swap3A_412 = tpu.vector_load %arg10[%swap3A_410, %swap3A_411] {strides = array<i32>} : memref<200x128xf32, #tpu.memory_space<vmem>>, vector<1x16xf32>,
        %swap3A_413 = vector.shape_cast %swap3A_412 : vector<1x16xf32> to vector<16xf32>
        %swap3A_414 = vector.shape_cast %add3A_409 : vector<16xf32> to vector<1x16xf32>
        tpu.vector_store %arg10[%swap3A_410, %swap3A_411], %swap3A_414 {strides = array<i32>} : memref<200x128xf32, #tpu.memory_space<vmem>>, vector<1x16xf32>,
        %get3A_415 = arith.index_cast %scan3A_374 : i32 to index
        %get3A_416 = arith.constant 48 : index
        %get3A_417 = tpu.vector_load %arg10[%get3A_415, %get3A_416] {strides = array<i32>} : memref<200x128xf32, #tpu.memory_space<vmem>>, vector<1x16xf32>,
        %get3A_418 = vector.shape_cast %get3A_417 : vector<1x16xf32> to vector<16xf32>
        %get3A_419 = arith.index_cast %scan3A_374 : i32 to index
        %get3A_420 = arith.constant 48 : index
        %get3A_421 = tpu.vector_load %arg11[%get3A_419, %get3A_420] {strides = array<i32>} : memref<200x128xf32, #tpu.memory_space<vmem>>, vector<1x16xf32>,
        %get3A_422 = vector.shape_cast %get3A_421 : vector<1x16xf32> to vector<16xf32>
        %add3A_423 = arith.addf %get3A_418, %get3A_422 : vector<16xf32>
        %swap3A_424 = arith.index_cast %scan3A_374 : i32 to index
        %swap3A_425 = arith.constant 48 : index
        %swap3A_426 = tpu.vector_load %arg10[%swap3A_424, %swap3A_425] {strides = array<i32>} : memref<200x128xf32, #tpu.memory_space<vmem>>, vector<1x16xf32>,
        %swap3A_427 = vector.shape_cast %swap3A_426 : vector<1x16xf32> to vector<16xf32>
        %swap3A_428 = vector.shape_cast %add3A_423 : vector<16xf32> to vector<1x16xf32>
        tpu.vector_store %arg10[%swap3A_424, %swap3A_425], %swap3A_428 {strides = array<i32>} : memref<200x128xf32, #tpu.memory_space<vmem>>, vector<1x16xf32>,
        %get3A_429 = arith.index_cast %scan3A_374 : i32 to index
        %get3A_430 = arith.constant 64 : index
        %get3A_431 = tpu.vector_load %arg10[%get3A_429, %get3A_430] {strides = array<i32>} : memref<200x128xf32, #tpu.memory_space<vmem>>, vector<1x16xf32>,
        %get3A_432 = vector.shape_cast %get3A_431 : vector<1x16xf32> to vector<16xf32>
        %get3A_433 = arith.index_cast %scan3A_374 : i32 to index
        %get3A_434 = arith.constant 64 : index
        %get3A_435 = tpu.vector_load %arg11[%get3A_433, %get3A_434] {strides = array<i32>} : memref<200x128xf32, #tpu.memory_space<vmem>>, vector<1x16xf32>,
        %get3A_436 = vector.shape_cast %get3A_435 : vector<1x16xf32> to vector<16xf32>
        %add3A_437 = arith.addf %get3A_432, %get3A_436 : vector<16xf32>
        %swap3A_438 = arith.index_cast %scan3A_374 : i32 to index
        %swap3A_439 = arith.constant 64 : index
        %swap3A_440 = tpu.vector_load %arg10[%swap3A_438, %swap3A_439] {strides = array<i32>} : memref<200x128xf32, #tpu.memory_space<vmem>>, vector<1x16xf32>,
        %swap3A_441 = vector.shape_cast %swap3A_440 : vector<1x16xf32> to vector<16xf32>
        %swap3A_442 = vector.shape_cast %add3A_437 : vector<16xf32> to vector<1x16xf32>
        tpu.vector_store %arg10[%swap3A_438, %swap3A_439], %swap3A_442 {strides = array<i32>} : memref<200x128xf32, #tpu.memory_space<vmem>>, vector<1x16xf32>,
        %get3A_443 = arith.index_cast %scan3A_374 : i32 to index
        %get3A_444 = arith.constant 80 : index
        %get3A_445 = tpu.vector_load %arg10[%get3A_443, %get3A_444] {strides = array<i32>} : memref<200x128xf32, #tpu.memory_space<vmem>>, vector<1x16xf32>,
        %get3A_446 = vector.shape_cast %get3A_445 : vector<1x16xf32> to vector<16xf32>
        %get3A_447 = arith.index_cast %scan3A_374 : i32 to index
        %get3A_448 = arith.constant 80 : index
        %get3A_449 = tpu.vector_load %arg11[%get3A_447, %get3A_448] {strides = array<i32>} : memref<200x128xf32, #tpu.memory_space<vmem>>, vector<1x16xf32>,
        %get3A_450 = vector.shape_cast %get3A_449 : vector<1x16xf32> to vector<16xf32>
        %add3A_451 = arith.addf %get3A_446, %get3A_450 : vector<16xf32>
        %swap3A_452 = arith.index_cast %scan3A_374 : i32 to index
        %swap3A_453 = arith.constant 80 : index
        %swap3A_454 = tpu.vector_load %arg10[%swap3A_452, %swap3A_453] {strides = array<i32>} : memref<200x128xf32, #tpu.memory_space<vmem>>, vector<1x16xf32>,
        %swap3A_455 = vector.shape_cast %swap3A_454 : vector<1x16xf32> to vector<16xf32>
        %swap3A_456 = vector.shape_cast %add3A_451 : vector<16xf32> to vector<1x16xf32>
        tpu.vector_store %arg10[%swap3A_452, %swap3A_453], %swap3A_456 {strides = array<i32>} : memref<200x128xf32, #tpu.memory_space<vmem>>, vector<1x16xf32>,
        %get3A_457 = arith.index_cast %scan3A_374 : i32 to index
        %get3A_458 = arith.constant 96 : index
        %get3A_459 = tpu.vector_load %arg10[%get3A_457, %get3A_458] {strides = array<i32>} : memref<200x128xf32, #tpu.memory_space<vmem>>, vector<1x16xf32>,
        %get3A_460 = vector.shape_cast %get3A_459 : vector<1x16xf32> to vector<16xf32>
        %get3A_461 = arith.index_cast %scan3A_374 : i32 to index
        %get3A_462 = arith.constant 96 : index
        %get3A_463 = tpu.vector_load %arg11[%get3A_461, %get3A_462] {strides = array<i32>} : memref<200x128xf32, #tpu.memory_space<vmem>>, vector<1x16xf32>,
        %get3A_464 = vector.shape_cast %get3A_463 : vector<1x16xf32> to vector<16xf32>
        %add3A_465 = arith.addf %get3A_460, %get3A_464 : vector<16xf32>
        %swap3A_466 = arith.index_cast %scan3A_374 : i32 to index
        %swap3A_467 = arith.constant 96 : index
        %swap3A_468 = tpu.vector_load %arg10[%swap3A_466, %swap3A_467] {strides = array<i32>} : memref<200x128xf32, #tpu.memory_space<vmem>>, vector<1x16xf32>,
        %swap3A_469 = vector.shape_cast %swap3A_468 : vector<1x16xf32> to vector<16xf32>
        %swap3A_470 = vector.shape_cast %add3A_465 : vector<16xf32> to vector<1x16xf32>
        tpu.vector_store %arg10[%swap3A_466, %swap3A_467], %swap3A_470 {strides = array<i32>} : memref<200x128xf32, #tpu.memory_space<vmem>>, vector<1x16xf32>,
        %get3A_471 = arith.index_cast %scan3A_374 : i32 to index
        %get3A_472 = arith.constant 112 : index
        %get3A_473 = tpu.vector_load %arg10[%get3A_471, %get3A_472] {strides = array<i32>} : memref<200x128xf32, #tpu.memory_space<vmem>>, vector<1x16xf32>,
        %get3A_474 = vector.shape_cast %get3A_473 : vector<1x16xf32> to vector<16xf32>
        %get3A_475 = arith.index_cast %scan3A_374 : i32 to index
        %get3A_476 = arith.constant 112 : index
        %get3A_477 = tpu.vector_load %arg11[%get3A_475, %get3A_476] {strides = array<i32>} : memref<200x128xf32, #tpu.memory_space<vmem>>, vector<1x16xf32>,
        %get3A_478 = vector.shape_cast %get3A_477 : vector<1x16xf32> to vector<16xf32>
        %add3A_479 = arith.addf %get3A_474, %get3A_478 : vector<16xf32>
        %swap3A_480 = arith.index_cast %scan3A_374 : i32 to index
        %swap3A_481 = arith.constant 112 : index
        %swap3A_482 = tpu.vector_load %arg10[%swap3A_480, %swap3A_481] {strides = array<i32>} : memref<200x128xf32, #tpu.memory_space<vmem>>, vector<1x16xf32>,
        %swap3A_483 = vector.shape_cast %swap3A_482 : vector<1x16xf32> to vector<16xf32>
        %swap3A_484 = vector.shape_cast %add3A_479 : vector<16xf32> to vector<1x16xf32>
        tpu.vector_store %arg10[%swap3A_480, %swap3A_481], %swap3A_484 {strides = array<i32>} : memref<200x128xf32, #tpu.memory_space<vmem>>, vector<1x16xf32>,
      }
      %scan3A_364 = arith.constant 200 : i32
      %mul3A_365 = arith.constant 25600 : i32
      %mul3A_366 = arith.muli %add3A, %mul3A_365 : i32
      %mul3A_367 = arith.constant 200 : i32
      %mul3A_368 = arith.muli %add3A_322, %mul3A_367 : i32
      %add3A_369 = arith.addi %mul3A_366, %mul3A_368 : i32
      %dma_start3A_370 = arith.constant 0 : i32
      %dma_start3A_371 = tpu.memref_slice %arg5[%add3A_369, %dma_start3A_370] : memref<819200x128xf32, #tpu.memory_space<hbm>> -> memref<200x128xf32, #tpu.memory_space<hbm>>
      %dma_start3A_372 = arith.constant 0 : i32
      %dma_start3A_373 = tpu.memref_slice %arg5[%add3A_369, %dma_start3A_372] : memref<819200x128xf32, #tpu.memory_space<hbm>> -> memref<200x128xf32, #tpu.memory_space<hbm>>
      tpu.enqueue_dma source(%arg10 : memref<200x128xf32, #tpu.memory_space<vmem>>) target(%dma_start3A_373 : memref<200x128xf32, #tpu.memory_space<hbm>>) target_semaphore(%arg19 : memref<!tpu.dma_semaphore, #tpu.memory_space<semaphore_mem>>)
    }
    %scan3A_137 = arith.constant 32 : i32
    %mul3A_138 = arith.constant 25600 : i32
    %mul3A_139 = arith.muli %add3A, %mul3A_138 : i32
    %dma_wait3A_140 = arith.constant 0 : i32
    %dma_wait3A_141 = tpu.memref_slice %arg5[%mul3A_139, %dma_wait3A_140] : memref<819200x128xf32, #tpu.memory_space<hbm>> -> memref<200x128xf32, #tpu.memory_space<hbm>>
    %dma_wait3A_142 = arith.constant 0 : i32
    %dma_wait3A_143 = tpu.memref_slice %arg5[%mul3A_139, %dma_wait3A_142] : memref<819200x128xf32, #tpu.memory_space<hbm>> -> memref<200x128xf32, #tpu.memory_space<hbm>>
    tpu.wait_dma2 semaphore(%arg16 : memref<!tpu.dma_semaphore, #tpu.memory_space<semaphore_mem>>) src(%arg7 : memref<200x128xf32, #tpu.memory_space<vmem>>) dst(%dma_wait3A_143 : memref<200x128xf32, #tpu.memory_space<hbm>>)
    %mul3A_144 = arith.constant 25600 : i32
    %mul3A_145 = arith.muli %add3A, %mul3A_144 : i32
    %dma_wait3A_146 = arith.constant 0 : i32
    %dma_wait3A_147 = tpu.memref_slice %arg5[%mul3A_145, %dma_wait3A_146] : memref<819200x128xf32, #tpu.memory_space<hbm>> -> memref<200x128xf32, #tpu.memory_space<hbm>>
    %dma_wait3A_148 = arith.constant 0 : i32
    %dma_wait3A_149 = tpu.memref_slice %arg5[%mul3A_145, %dma_wait3A_148] : memref<819200x128xf32, #tpu.memory_space<hbm>> -> memref<200x128xf32, #tpu.memory_space<hbm>>
    tpu.wait_dma2 semaphore(%arg17 : memref<!tpu.dma_semaphore, #tpu.memory_space<semaphore_mem>>) src(%arg8 : memref<200x128xf32, #tpu.memory_space<vmem>>) dst(%dma_wait3A_149 : memref<200x128xf32, #tpu.memory_space<hbm>>)
    %mul3A_150 = arith.constant 25600 : i32
    %mul3A_151 = arith.muli %add3A, %mul3A_150 : i32
    %dma_wait3A_152 = arith.constant 0 : i32
    %dma_wait3A_153 = tpu.memref_slice %arg5[%mul3A_151, %dma_wait3A_152] : memref<819200x128xf32, #tpu.memory_space<hbm>> -> memref<200x128xf32, #tpu.memory_space<hbm>>
    %dma_wait3A_154 = arith.constant 0 : i32
    %dma_wait3A_155 = tpu.memref_slice %arg5[%mul3A_151, %dma_wait3A_154] : memref<819200x128xf32, #tpu.memory_space<hbm>> -> memref<200x128xf32, #tpu.memory_space<hbm>>
    tpu.wait_dma2 semaphore(%arg18 : memref<!tpu.dma_semaphore, #tpu.memory_space<semaphore_mem>>) src(%arg9 : memref<200x128xf32, #tpu.memory_space<vmem>>) dst(%dma_wait3A_155 : memref<200x128xf32, #tpu.memory_space<hbm>>)
    %mul3A_156 = arith.constant 25600 : i32
    %mul3A_157 = arith.muli %add3A, %mul3A_156 : i32
    %dma_wait3A_158 = arith.constant 0 : i32
    %dma_wait3A_159 = tpu.memref_slice %arg5[%mul3A_157, %dma_wait3A_158] : memref<819200x128xf32, #tpu.memory_space<hbm>> -> memref<200x128xf32, #tpu.memory_space<hbm>>
    %dma_wait3A_160 = arith.constant 0 : i32
    %dma_wait3A_161 = tpu.memref_slice %arg5[%mul3A_157, %dma_wait3A_160] : memref<819200x128xf32, #tpu.memory_space<hbm>> -> memref<200x128xf32, #tpu.memory_space<hbm>>
    tpu.wait_dma2 semaphore(%arg19 : memref<!tpu.dma_semaphore, #tpu.memory_space<semaphore_mem>>) src(%arg10 : memref<200x128xf32, #tpu.memory_space<vmem>>) dst(%dma_wait3A_161 : memref<200x128xf32, #tpu.memory_space<hbm>>)
    return
  }
}

</mosaic_0001>

<sc_bundles>
// kernel: kernel.3.cloned.1.call-start
scs
__scs_entry_jumppad:
0x0: {  	(pc) =	sbr.rel $0x88, $3  }
0x1: {  	(tag) =	ssettag $0x0;
	lr =	simm.s32 $0x1  }
0x2: {  	[smem:$0x3F9E] =	sst lr;
	_ =	strace $0xD0000000  }
0x3: {  	_ = 	snop  }
0x4: {  	_ = 	snop  }
0x5: {  	_ = 	snop  }
0x6: {  	_ = 	snop  }
0x7: {  	_ = 	snop  }
__scs_overlays_trampoline_lowered:
0x8: {  	[smem:$0x3FAD] =	sst s0  }
0x9: {  	[smem:$0x3FAE] =	sst s1  }
0xa: {  	[smem:$0x3FAF] =	sst s2  }
0xb: {  	[smem:$0x3FB0] =	sst s3  }
0xc: {  	[smem:$0x3FB1] =	sst s4  }
0xd: {  	[smem:$0x3FB2] =	sst s5  }
0xe: {  	[smem:$0x3FB3] =	sst s6  }
0xf: {  	[smem:$0x3FB4] =	sst s7  }
0x10: {  	[smem:$0x3FB5] =	sst s8  }
0x11: {  	[smem:$0x3FB6] =	sst s9;
	s0 =	simm.s32 @!p0 $0x0  }
0x12: {  	s1 =	sld [smem:$0x3F9C];
	s0 =	simm.s32 @p0 $0x1  }
0x13: {  	[smem:$0x3FB7] =	sst s0;
	s0 =	simm.s32 @!p1 $0x0  }
0x14: {  	s2 =	sld [smem:$0x3F9B];
	s0 =	simm.s32 @p1 $0x1  }
0x15: {  	[smem:$0x3FB8] =	sst s0;
	s0 =	simm.s32 @!p2 $0x0  }
0x16: {  	s3 =	sld [smem:$0x3FDB];
	s0 =	simm.s32 @p2 $0x1  }
0x17: {  	s4 =	simm.s32 $0x1BF5;
	[smem:$0x3FBA] =	sst s0  }
0x18: {  	s0 =	sld [smem:$0x3F9D];
	_ =	swait.ge [sflag:s4], $0x0  }
0x19: {  	s7 =	sld [smem:$0x3F9E]  }
0x1a: {  	s8 =	sadd.s32 $0xFFFFE003, lr  }
0x1b: {  	s9 =	sadd.s32 $0xFFFFFEF7, lr;
	s5 =	simm.s32 $0xFFFFFFFF;
	p2 =	slt.u32 s8, $0xFFFFF086  }
0x1c: {  	p1 =	slt.u32 s9, $0xF7A;
	s5 =	simm.s32 @!p2 $0x0  }
0x1d: {  	s5 =	simm.s32 @p1 $0x1;
	p0 =	seq.s32 s7, s2  }
0x1e: {  	s7 =	smul.u32 @!p0 $0xF7A, s2;
	p2 =	seq.s32 @!p0 s5, $0x0  }
0x1f: {  	s9 =	smul.u32 $0xF7A, s1;
	s8 =	simm.s32 @!p0 $0x1BF5;
	p2 =	por !p2, p0  }
0x20: {  	[sflag:s8] =	ssyncset.s32 @!p0 $0xFFFFF086;
	s6 =	sadd.s32 @!p0 s3, s7;
	s7 =	simm.s32 @!p0 $0x108  }
0x21: {  	s3 =	sadd.s32 s3, s9;
	s6 =	sadd.s32 @!p0 $0x88, s6;
	s7 =	simm.s32 @p2 $0x1082  }
0x22: {  	[simem:s7], [sflag:s8] =	dma.local @!p0 [hbm:s6], $0xF7A  }
0x23: {  	s9 =	sor.u32 $0xD0000000, s2;
	s6 =	simm.s32 $0x108;
	_ =	swait.ge @!p0 [sflag:s8], $0x0  }
0x24: {  	s3 =	sadd.s32 $0x88, s3;
	s6 =	simm.s32 @!p1 $0x1082;
	[sflag:s4] =	ssyncset.s32 $0xFFFFF086  }
0x25: {  	[simem:s6], [sflag:s4] =	dma.local [hbm:s3], $0xF7A  }
0x26: {  	[smem:$0x3F9E] =	sst s1;
	(tag) =	ssettag s2;
	_ =	strace s9  }
0x27: {  	s1 =	sld [smem:$0x3FAE]  }
0x28: {  	s2 =	sld [smem:$0x3FAF]  }
0x29: {  	s4 =	sld [smem:$0x3FB1]  }
0x2a: {  	p0 =	seq.s32 s5, $0x0;
	s5 =	sld [smem:$0x3FB2]  }
0x2b: {  	s6 =	sld [smem:$0x3FB3]  }
0x2c: {  	s7 =	sld [smem:$0x3FB4]  }
0x2d: {  	s3 =	simm.s32 $0x108;
	s8 =	sld [smem:$0x3FB5]  }
0x2e: {  	s3 =	simm.s32 @!p0 $0x1082;
	s9 =	sld [smem:$0x3FB6]  }
0x2f: {  	lr =	sadd.s32 s0, s3;
	s0 =	sld [smem:$0x3FAD]  }
0x30: {  	s3 =	sld [smem:$0x3FB0]  }
0x31: {  	[smem:$0x3FB9] =	sst s10  }
0x32: {  	s10 =	sld [smem:$0x3FB7];
	_ =	sdelay $0x3  }
0x33: {  	p0 =	seq.s32 s10, $0x1;
	s10 =	sld [smem:$0x3FB9];
	_ =	sdelay $0x3  }
0x34: {  	[smem:$0x3FB9] =	sst s10  }
0x35: {  	s10 =	sld [smem:$0x3FB8];
	_ =	sdelay $0x3  }
0x36: {  	p1 =	seq.s32 s10, $0x1;
	s10 =	sld [smem:$0x3FB9];
	_ =	sdelay $0x3  }
0x37: {  	[smem:$0x3FB9] =	sst s10  }
0x38: {  	s10 =	sld [smem:$0x3FBA]  }
0x39: {  	_ = 	snop;
	(pc) =	sbr.ind lr, $3  }
0x3a: {  	_ = 	snop  }
0x3b: {  	_ = 	snop  }
0x3c: {  	p2 =	seq.s32 s10, $0x1;
	s10 =	sld [smem:$0x3FB9]  }
0x3d: {  	_ =	shalt  }
0x3e: {  	_ =	shalt  }
0x3f: {  	_ =	shalt  }
0x40: {  	_ =	shalt  }
0x41: {  	_ =	shalt  }
0x42: {  	_ =	shalt  }
0x43: {  	_ =	shalt  }
0x44: {  	_ =	shalt  }
0x45: {  	_ =	shalt  }
0x46: {  	_ =	shalt  }
0x47: {  	_ =	shalt  }
0x48: {  	_ =	shalt  }
0x49: {  	_ =	shalt  }
0x4a: {  	_ =	shalt  }
0x4b: {  	_ =	shalt  }
0x4c: {  	_ =	shalt  }
0x4d: {  	_ =	shalt  }
0x4e: {  	_ =	shalt  }
0x4f: {  	_ =	shalt  }
0x50: {  	_ =	shalt  }
0x51: {  	_ =	shalt  }
0x52: {  	_ =	shalt  }
0x53: {  	_ =	shalt  }
0x54: {  	_ =	shalt  }
0x55: {  	_ =	shalt  }
0x56: {  	_ =	shalt  }
0x57: {  	_ =	shalt  }
0x58: {  	_ =	shalt  }
0x59: {  	_ =	shalt  }
0x5a: {  	_ =	shalt  }
0x5b: {  	_ =	shalt  }
0x5c: {  	_ =	shalt  }
0x5d: {  	_ =	shalt  }
0x5e: {  	_ =	shalt  }
0x5f: {  	_ =	shalt  }
0x60: {  	_ =	shalt  }
0x61: {  	_ =	shalt  }
0x62: {  	_ =	shalt  }
0x63: {  	_ =	shalt  }
0x64: {  	_ =	shalt  }
0x65: {  	_ =	shalt  }
0x66: {  	_ =	shalt  }
0x67: {  	_ =	shalt  }
0x68: {  	_ =	shalt  }
0x69: {  	_ =	shalt  }
0x6a: {  	_ =	shalt  }
0x6b: {  	_ =	shalt  }
0x6c: {  	_ =	shalt  }
0x6d: {  	_ =	shalt  }
0x6e: {  	_ =	shalt  }
0x6f: {  	_ =	shalt  }
0x70: {  	_ =	shalt  }
0x71: {  	_ =	shalt  }
0x72: {  	_ =	shalt  }
0x73: {  	_ =	shalt  }
0x74: {  	_ =	shalt  }
0x75: {  	_ =	shalt  }
0x76: {  	_ =	shalt  }
0x77: {  	_ =	shalt  }
0x78: {  	_ =	shalt  }
0x79: {  	_ =	shalt  }
0x7a: {  	_ =	shalt  }
0x7b: {  	_ =	shalt  }
0x7c: {  	_ =	shalt  }
0x7d: {  	_ =	shalt  }
0x7e: {  	_ =	shalt  }
0x7f: {  	_ =	shalt  }
0x80: {  	_ =	shalt  }
0x81: {  	_ =	shalt  }
0x82: {  	_ =	shalt  }
0x83: {  	_ =	shalt  }
0x84: {  	_ =	shalt  }
0x85: {  	_ =	shalt  }
0x86: {  	_ =	shalt  }
0x87: {  	_ =	shalt  }
.Lfunc_end0:
.L_simem_size_0:
called_computation_lowered:
.L_overlay_start_0:
0x88: {  	s2 =	sld [smem:$0x3FD9]  }
0x89: {  	s3 =	sld [smem:$0x3FFE];
	_ =	sdelay $0x1  }
0x8a: {  	s1 =	srdreg.scid  }
0x8b: {  	s0 =	sand.u32 $0x1, s1  }
0x8c: {  	s17 =	sshll.u32 s0, $0xA;
	s2 =	sadd.s32 s3, s2  }
0x8d: {  	s2 =	sadd.s32 s2, s17  }
0x8e: {  	[smem:$0x3FC5] =	sst s2  }
0x8f: {  	_ = 	snop  }
0x90: {  	s2 =	sld [smem:$0x3FC8]  }
0x91: {  	s18 =	sld [smem:$0x3FC7]  }
0x92: {  	s4 =	sld [smem:$0x3FD0];
	(tm) =	ssettm $0x1  }
0x93: {  	s5 =	sld [smem:$0x3FFB];
	_ =	sdelay $0x3  }
0x94: {  	_ =	strace s5  }
0x95: {  	s5 =	sld [smem:$0x3FFC];
	_ =	sdelay $0x3  }
0x96: {  	_ =	strace s5  }
0x97: {  	s5 =	sld [smem:$0x3FFD];
	_ =	sdelay $0x3  }
0x98: {  	_ =	strace s5  }
0x99: {  	_ =	strace $0x8FFFFFFF  }
0x9a: {  	s19 =	sld [smem:$0x3FDB];
	_ =	sdelay $0x1  }
0x9b: {  	s6 =	simm.s32 $_scs_section_size  }
0x9c: {  	s7 =	simm.s32 $_size__tile_overlayer_lowered;
	s8 =	simm.s32 $_tile_overlayer_lowered  }
0x9d: {  	s22 =	simm.s32 $0x1BFF;
	s21 =	sshll.u32 s8, $0x1;
	s5 =	sadd.s32 s6, s19  }
0x9e: {  	s9 =	simm.s32 $0x0;
	s20 =	sshll.u32 s7, $0x1;
	s7 =	sadd.s32 s21, s5  }
0x9f: {  	[timem:s9], [sflag:s22] =	dma.local [hbm:s7], s20  }
0xa0: {  	_ =	swait.ge [sflag:s22], s20  }
0xa1: {  	s6 =	ssub.s32 $0x0, s20;
	[sflag:s22] =	ssyncset.done $0x0  }
0xa2: {  	[sflag:s22] =	ssyncadd.s32 s6;
	_ =	sdelay $0x1  }
0xa3: {  	s23 =	simm.s32 $0x1B8B  }
0xa4: {  	_ =	swait.ge [sflag:s23], $0x1  }
0xa5: {  	[sflag:s23] =	ssyncset.done $0x0  }
0xa6: {  	s25 =	simm.s32 $0x1B8E;
	s24 =	sld [smem:$0x3FFE];
	[sflag:s23] =	ssyncadd.s32 $0xFFFFFFFF  }
0xa7: {  	s26 =	simm.s32 $execute0_lowered;
	[smem:$0x3FD2] =	sst s25  }
0xa8: {  	s7 =	sshll.u32 s26, $0x1;
	_ =	strace $0x80000046;
	[dreg:$0x1] =	wrdreg $0xFFFFFFFF  }
0xa9: {  	s28 =	simm.s32 $_size_execute0_lowered;
	s5 =	sadd.s32 s5, s7;
	[dreg:$0x0] =	wrdreg $0x0  }
0xaa: {  	s7 =	sshll.u32 s28, $0x1;
	[dreg:$0x2] =	wrdreg s5  }
0xab: {  	[dreg:$0x3] =	wrdreg s7  }
0xac: {  	[dreg:$0x4] =	wrdreg $0xC0  }
0xad: {  	_ =	task [dreg:s9], $0x5FFFF  }
0xae: {  	[dreg:$0x1] =	wrdreg $0xFFFFFFFF  }
0xaf: {  	[dreg:$0x0] =	wrdreg $0x60  }
0xb0: {  	[dreg:$0x2] =	wrdreg s24  }
0xb1: {  	[dreg:$0x3] =	wrdreg s2  }
0xb2: {  	[dreg:$0x4] =	wrdreg s18  }
0xb3: {  	[dreg:$0x5] =	wrdreg s4  }
0xb4: {  	[dreg:$0x6] =	wrdreg $0x9  }
0xb5: {  	_ =	task.clear_ibuf [dreg:s9], $0x7FFFF;
	_ =	strace $0x90000046  }
0xb6: {  	s29 =	simm.s32 $0x9;
	_ =	strace $0x80000048  }
0xb7: {  	_ =	swait.ge [sflag:s29], $0x1  }
0xb8: {  	[sflag:s29] =	ssyncadd.s32 $0xFFFFFFFF  }
0xb9: {  	_ =	strace $0x90000048  }
0xba: {  	_ =	sfence  }
0xbb: {  	s30 =	sld [smem:$0x0];
	_ =	sdelay $0x2  }
0xbc: {  	s31 =	sshll.u32 s1, $0xD;
	s1 =	sshrl.u32 s1, $0x2  }
0xbd: {  	s3 =	sand.u32 $0x4000, s31;
	s1 =	sadd.s32 s1, s30  }
0xbe: {  	s0 =	sor.u32 s3, s0;
	s1 =	sshll.u32 s1, $0x11  }
0xbf: {  	s0 =	sor.u32 s1, s0  }
0xc0: {  	s0 =	sadd.s32 $0x8F2B, s0  }
0xc1: {  	[sflag:s0] =	ssyncadd.remote.s32 $0x1  }
0xc2: {  	_ =	sfence.sel $0xFFFF  }
0xc3: {  	[dreg:$0x0] =	wrdreg $0xFFFFFFFF;
	(pc) =	sbr.abs _section_cstart, $3  }
0xc4: {  	[dreg:$0x1] =	wrdreg $0xFFFFFFFF  }
0xc5: {  	_ =	task.clear_ibuf [dreg:s9], $0x2FFFF;
	_ =	strace $0x9FFFFFFF  }
0xc6: {  	(tm) =	ssettm $0x7FFFFFFF  }
0xc7: {  	_ =	shalt  }
tec
execute0_lowered:
.L_overlay_start_1:
0x0: {  	(tag) =	ssettag $0x1  }
0x1: {  	s0 =	rddreg [dreg:$0x0]  }
0x2: {  	s1 =	rddreg [dreg:$0x1]  }
0x3: {  	s4 =	rddreg [dreg:$0x3];
	s2 =	srdreg.scid;
	s5 =	simm.s32 $0x0  }
0x4: {  	s6 =	stileid.u32;
	s23 =	simm.s32 $0x64;
	s29 =	simm.s32 $0x6800  }
0x5: {  	s30 =	simm.s32 $0xC;
	s31 =	simm.s32 $0x13000;
	s20 =	simm.s32 $0x2  }
0x6: {  	s17 =	simm.s32 $0x3;
	s8 =	simm.s32 $0x4;
	s11 =	simm.s32 $0x0  }
0x7: {  	s2 =	sand.u32 $0x1, s2;
	[smem:$0x7FF] =	sst s5;
	s6 =	sshll.u32 s6, $0x1  }
0x8: {  	s3 =	ssub.s32 $0x2, s2;
	_ =	strace $0x80000047;
	s2 =	sor.u32 s2, s6  }
0x9: {  	s6 =	sadd.s32 $0x400, s0;
	s7 =	sshrl.u32 s3, $0x1;
	s25 =	sshll.u32 s2, $0xC  }
0xa: {  	s9 =	smul.u32 $0x6400, s2;
	s24 =	ssub.s32 s3, s7;
	s3 =	sadd.s32 s6, s25  }
0xb: {  	s7 =	sshll.u32 s2, $0xF;
	s25 =	simm.s32 $0x300;
	s26 =	sadd.s32 $0x20, s3  }
0xc: {  	[dreg:$0x5] =	wrdreg s3;
	s28 =	sadd.s32 $0x40, s3;
	s12 =	sor.u32 $0x400, s7  }
0xd: {  	s13 =	sor.u32 $0xC8, s9;
	s14 =	sor.u32 $0x500, s7;
	s15 =	sor.u32 $0x190, s9  }
0xe: {  	s16 =	sor.u32 $0x600, s7;
	s0 =	smax.u32 s24, $0x1;
	[dreg:$0x6] =	wrdreg s26  }
0xf: {  	s24 =	simm.s32 $0x400;
	s3 =	simm.s32 $0xCC00;
	[dreg:$0x7] =	wrdreg s28  }
0x10: {  	[dreg:$0x8] =	wrdreg s0;
	s0 =	simm.s32 $0xB;
	s26 =	simm.s32 $0x1  }
.LBB2_1:
0x11: {  	s2 =	rddreg [dreg:$0x2];
	s10 =	simm.s32 $0x19400  }
0x12: {  	[tilespmem:s10], [sflag:$0xD] =	stream.linear.gather [hbm4b:s2+s5], $0x6400, $0x38;
	[tilespmem:$0x1F800] =	vst v63  }
0x13: {  	[dreg:$0x9] =	wrdreg s11;
	s10 =	simm.s32 $0xD  }
0x14: {  	_ =	swait.ge [sflag:s10], $0x6400  }
0x15: {  	[sflag:s10] =	ssyncset.done $0x0  }
0x16: {  	s11 =	rddreg [dreg:$0x5];
	[sflag:s10] =	ssyncadd.s32 $0xFFFF9C00  }
0x17: {  	[tilespmem:s5], [sflag:$0x9] =	stream.linear.gather [hbm4b:s11+s5], $0x100, $0x38;
	[tilespmem:$0x1F800] =	vst v63  }
0x18: {  	s18 =	rddreg [dreg:$0x6];
	s10 =	simm.s32 $0x100  }
0x19: {  	[tilespmem:s10], [sflag:$0xA] =	stream.linear.gather [hbm4b:s18+s5], $0x100, $0x38;
	[tilespmem:$0x1F800] =	vst v63  }
0x1a: {  	s21 =	simm.s32 $0x200;
	s22 =	simm.s32 $0x9;
	s19 =	rddreg [dreg:$0x7]  }
0x1b: {  	[tilespmem:s21], [sflag:$0xB] =	stream.linear.gather [hbm4b:s19+s5], $0x100, $0x38;
	[tilespmem:$0x1F800] =	vst v63  }
0x1c: {  	_ =	swait.ge [sflag:s22], $0x100  }
0x1d: {  	[sflag:s22] =	ssyncset.done $0x0  }
0x1e: {  	[sflag:s22] =	ssyncadd.s32 $0xFFFFFF00  }
0x1f: {  	[tilespmem:s24], [sflag:$0x1] =	stream.indirect.gather [hbm4b:s1+s23], $0x80, s5, s23, $0xb8;
	[tilespmem:$0x1F800] =	vst v63  }
0x20: {  	s11 =	simm.s32 $0x80;
	s18 =	simm.s32 $0x3600;
	s19 =	simm.s32 $0xA  }
0x21: {  	[tilespmem:s18], [sflag:$0x1] =	stream.indirect.gather [hbm4b:s1+s23], $0x80, s11, s23, $0xb8;
	[tilespmem:$0x1F800] =	vst v63  }
0x22: {  	_ =	swait.ge [sflag:s19], $0x100  }
0x23: {  	[sflag:s19] =	ssyncset.done $0x0  }
0x24: {  	[sflag:s19] =	ssyncadd.s32 $0xFFFFFF00  }
0x25: {  	[tilespmem:s29], [sflag:$0x2] =	stream.indirect.gather [hbm4b:s1+s23], $0x80, s10, s23, $0xb8;
	[tilespmem:$0x1F800] =	vst v63  }
0x26: {  	s28 =	simm.s32 $0x0;
	s21 =	simm.s32 $0x180;
	s22 =	simm.s32 $0x9A00  }
0x27: {  	[tilespmem:s22], [sflag:$0x2] =	stream.indirect.gather [hbm4b:s1+s23], $0x80, s21, s23, $0xb8;
	[tilespmem:$0x1F800] =	vst v63  }
.LBB2_2:
0x28: {  	p0 =	seq.s32 s28, $0x0  }
0x29: {  	s2 =	simm.s32 @!p0 $0x7  }
0x2a: {  	_ =	swait.ge @!p0 [sflag:s2], $0x6400  }
0x2b: {  	[sflag:s2] =	ssyncset.done @!p0 $0x0  }
0x2c: {  	s22 =	sshll.u32 s28, $0x2;
	[sflag:s2] =	ssyncadd.s32 @!p0 $0xFFFF9C00  }
0x2d: {  	s19 =	sor.u32 $0x3, s22;
	_ =	swait.ge [sflag:s0], $0x100  }
0x2e: {  	s2 =	sshll.u32 s19, $0x8;
	[sflag:s0] =	ssyncset.done $0x0  }
0x2f: {  	s21 =	simm.s32 $0x200;
	s2 =	sadd.s32 s7, s2;
	[sflag:s0] =	ssyncadd.s32 $0xFFFFFF00  }
0x30: {  	[tilespmem:s3], [sflag:$0x3] =	stream.indirect.gather [hbm4b:s1+s23], $0x80, s21, s23, $0xb8;
	[tilespmem:$0x1F800] =	vst v63  }
0x31: {  	s10 =	simm.s32 $0x280;
	s11 =	simm.s32 $0xFE00;
	s2 =	sshrl.u32 s2, $0x3  }
0x32: {  	[tilespmem:s11], [sflag:$0x3] =	stream.indirect.gather [hbm4b:s1+s23], $0x80, s10, s23, $0xb8;
	[tilespmem:$0x1F800] =	vst v63  }
0x33: {  	s18 =	simm.s32 $0x0;
	s2 =	sadd.s32 s6, s2  }
0x34: {  	[tilespmem:s25], [sflag:$0xC] =	stream.linear.gather [hbm4b:s2+s18], $0x100, $0x38;
	[tilespmem:$0x1F800] =	vst v63  }
0x35: {  	_ =	swait.ge [sflag:s26], $0x3200  }
0x36: {  	[sflag:s26] =	ssyncset.done $0x0  }
0x37: {  	[sflag:s26] =	ssyncadd.s32 $0xFFFFCE00  }
0x38: {  	_ =	swait.ge [sflag:s26], $0x3200  }
0x39: {  	[sflag:s26] =	ssyncset.done $0x0  }
0x3a: {  	s2 =	simm.s32 $0x0;
	[sflag:s26] =	ssyncadd.s32 $0xFFFFCE00  }
0x3b: {  	v6 =	vld [tilespmem:s2+$0x19400]  }
0x3c: {  	v11 =	vld [tilespmem:s2+$0x19410]  }
0x3d: {  	v5 =	vld [tilespmem:s2+$0x19420]  }
0x3e: {  	v4 =	vld [tilespmem:s2+$0x19430]  }
0x3f: {  	v3 =	vld [tilespmem:s2+$0x19440]  }
0x40: {  	v2 =	vld [tilespmem:s2+$0x19450]  }
0x41: {  	v1 =	vld [tilespmem:s2+$0x19460]  }
0x42: {  	v0 =	vld [tilespmem:s2+$0x19470]  }
0x43: {  	v12 =	vld [tilespmem:s2+$0x400]  }
0x44: {  	v13 =	vld [tilespmem:s2+$0x410]  }
0x45: {  	v10 =	vld [tilespmem:s2+$0x420]  }
0x46: {  	v9 =	vld [tilespmem:s2+$0x430]  }
0x47: {  	v8 =	vld [tilespmem:s2+$0x440]  }
0x48: {  	v7 =	vld [tilespmem:s2+$0x450];
	v12 =	vadd.f32 v6, v12  }
0x49: {  	s18 =	simm.s32 $0x200;
	v11 =	vadd.f32 v11, v13;
	v6 =	vld [tilespmem:s2+$0x460]  }
.LBB2_3:
0x4a: {  	s21 =	sshra.s32 s18, $0x2;
	p1 =	sne.s32 s18, $0x18E00;
	[tilespmem:s2+$0x400] =	vst v12;
	v5 =	vadd.f32 v5, v10;
	v10 =	vld [tilespmem:s2+$0x470]  }
0x4b: {  	v12 =	vld [tilespmem:s21+$0x19400];
	[tilespmem:s2+$0x410] =	vst v11;
	v4 =	vadd.f32 v4, v9  }
0x4c: {  	v11 =	vld [tilespmem:s21+$0x19410];
	[tilespmem:s2+$0x420] =	vst v5;
	v3 =	vadd.f32 v3, v8  }
0x4d: {  	v5 =	vld [tilespmem:s21+$0x19420];
	[tilespmem:s2+$0x430] =	vst v4;
	v2 =	vadd.f32 v2, v7  }
0x4e: {  	v4 =	vld [tilespmem:s21+$0x19430];
	[tilespmem:s2+$0x440] =	vst v3;
	v1 =	vadd.f32 v1, v6  }
0x4f: {  	v3 =	vld [tilespmem:s21+$0x19440];
	[tilespmem:s2+$0x450] =	vst v2;
	v0 =	vadd.f32 v0, v10  }
0x50: {  	v2 =	vld [tilespmem:s21+$0x19450];
	[tilespmem:s2+$0x460] =	vst v1  }
0x51: {  	v1 =	vld [tilespmem:s21+$0x19460];
	[tilespmem:s2+$0x470] =	vst v0;
	s2 =	smov.u32 s21  }
0x52: {  	v0 =	vld [tilespmem:s2+$0x19470]  }
0x53: {  	v6 =	vld [tilespmem:s2+$0x400]  }
0x54: {  	v13 =	vld [tilespmem:s2+$0x410]  }
.Ltmp0:
0x55: {  	v10 =	vld [tilespmem:s2+$0x420];
	(pc) =	sbr.rel @p1 .LBB2_3-.Ltmp0, $4  }
0x56: {  	v9 =	vld [tilespmem:s2+$0x430]  }
0x57: {  	v8 =	vld [tilespmem:s2+$0x440]  }
0x58: {  	v12 =	vadd.f32 v12, v6;
	v7 =	vld [tilespmem:s2+$0x450]  }
0x59: {  	s18 =	sadd.s32 $0x200, s18;
	v11 =	vadd.f32 v11, v13;
	v6 =	vld [tilespmem:s2+$0x460]  }
0x5a: {  	[tilespmem:s2+$0x400] =	vst v12;
	v5 =	vadd.f32 v5, v10;
	v10 =	vld [tilespmem:s2+$0x470]  }
0x5b: {  	[tilespmem:s2+$0x410] =	vst v11;
	v4 =	vadd.f32 v4, v9  }
0x5c: {  	[tilespmem:s2+$0x420] =	vst v5;
	v3 =	vadd.f32 v3, v8  }
0x5d: {  	s22 =	smul.u32 $0x320, s28;
	[tilespmem:s2+$0x430] =	vst v4;
	v2 =	vadd.f32 v2, v7  }
0x5e: {  	[tilespmem:s2+$0x440] =	vst v3;
	v1 =	vadd.f32 v1, v6  }
0x5f: {  	s18 =	sadd.s32 s9, s22;
	[tilespmem:s2+$0x450] =	vst v2;
	v0 =	vadd.f32 v0, v10  }
0x60: {  	s18 =	sshll.u32 s18, $0x4;
	[tilespmem:s2+$0x460] =	vst v1  }
0x61: {  	s18 =	sadd.s32 s4, s18;
	[tilespmem:s2+$0x470] =	vst v0;
	s2 =	simm.s32 @!p0 $0x8  }
0x62: {  	[hbm4b:s18+s5] =	stream.linear.scatter [tilespmem:s24], [sflag:$0x5], $0x6400, $0x38;
	[tilespmem:$0x1F800] =	vst v63  }
0x63: {  	_ =	swait.ge @!p0 [sflag:s2], $0x6400  }
0x64: {  	[sflag:s2] =	ssyncset.done @!p0 $0x0  }
0x65: {  	[sflag:s2] =	ssyncadd.s32 @!p0 $0xFFFF9C00  }
0x66: {  	p0 =	seq.s32 s28, $0x1F;
	_ =	swait.ge [sflag:s30], $0x100  }
0x67: {  	s2 =	sshll.u32 @!p0 s28, $0xA;
	[sflag:s30] =	ssyncset.done $0x0  }
0x68: {  	s18 =	sadd.s32 @!p0 s2, s12;
	[sflag:s30] =	ssyncadd.s32 $0xFFFFFF00  }
0x69: {  	[tilespmem:s31], [sflag:$0x4] =	stream.indirect.gather [hbm4b:s1+s23], $0x80, s25, s23, $0xb8;
	[tilespmem:$0x1F800] =	vst v63  }
0x6a: {  	s21 =	simm.s32 $0x380;
	s10 =	simm.s32 $0x16200;
	s18 =	sshrl.u32 @!p0 s18, $0x3  }
0x6b: {  	[tilespmem:s10], [sflag:$0x4] =	stream.indirect.gather [hbm4b:s1+s23], $0x80, s21, s23, $0xb8;
	[tilespmem:$0x1F800] =	vst v63  }
0x6c: {  	s18 =	sadd.s32 @!p0 s6, s18;
	s21 =	simm.s32 @!p0 $0x0  }
0x6d: {  	[tilespmem:s21], [sflag:$0x9] =	stream.linear.gather @!p0 [hbm4b:s18+s21], $0x100, $0x38;
	[tilespmem:$0x1F800] =	vst v63  }
0x6e: {  	_ =	swait.ge [sflag:s20], $0x3200  }
0x6f: {  	[sflag:s20] =	ssyncset.done $0x0  }
0x70: {  	[sflag:s20] =	ssyncadd.s32 $0xFFFFCE00  }
0x71: {  	_ =	swait.ge [sflag:s20], $0x3200  }
0x72: {  	[sflag:s20] =	ssyncset.done $0x0  }
0x73: {  	s18 =	simm.s32 $0x0;
	[sflag:s20] =	ssyncadd.s32 $0xFFFFCE00  }
0x74: {  	v7 =	vld [tilespmem:s18+$0x19400]  }
0x75: {  	v11 =	vld [tilespmem:s18+$0x19410]  }
0x76: {  	v5 =	vld [tilespmem:s18+$0x19420]  }
0x77: {  	v4 =	vld [tilespmem:s18+$0x19430]  }
0x78: {  	v3 =	vld [tilespmem:s18+$0x19440]  }
0x79: {  	v2 =	vld [tilespmem:s18+$0x19450]  }
0x7a: {  	v1 =	vld [tilespmem:s18+$0x19460]  }
0x7b: {  	v0 =	vld [tilespmem:s18+$0x19470]  }
0x7c: {  	v12 =	vld [tilespmem:s18+$0x6800]  }
0x7d: {  	v13 =	vld [tilespmem:s18+$0x6810]  }
0x7e: {  	v10 =	vld [tilespmem:s18+$0x6820]  }
0x7f: {  	v9 =	vld [tilespmem:s18+$0x6830]  }
0x80: {  	v8 =	vld [tilespmem:s18+$0x6840]  }
0x81: {  	v6 =	vld [tilespmem:s18+$0x6850];
	v12 =	vadd.f32 v7, v12  }
0x82: {  	s21 =	simm.s32 $0x200;
	v11 =	vadd.f32 v11, v13;
	v7 =	vld [tilespmem:s18+$0x6860]  }
.LBB2_5:
0x83: {  	s10 =	sshra.s32 s21, $0x2;
	p1 =	sne.s32 s21, $0x18E00;
	[tilespmem:s18+$0x6800] =	vst v12;
	v5 =	vadd.f32 v5, v10;
	v10 =	vld [tilespmem:s18+$0x6870]  }
0x84: {  	v12 =	vld [tilespmem:s10+$0x19400];
	[tilespmem:s18+$0x6810] =	vst v11;
	v4 =	vadd.f32 v4, v9  }
0x85: {  	v11 =	vld [tilespmem:s10+$0x19410];
	[tilespmem:s18+$0x6820] =	vst v5;
	v3 =	vadd.f32 v3, v8  }
0x86: {  	v5 =	vld [tilespmem:s10+$0x19420];
	[tilespmem:s18+$0x6830] =	vst v4;
	v2 =	vadd.f32 v2, v6  }
0x87: {  	v4 =	vld [tilespmem:s10+$0x19430];
	[tilespmem:s18+$0x6840] =	vst v3;
	v1 =	vadd.f32 v1, v7  }
0x88: {  	v3 =	vld [tilespmem:s10+$0x19440];
	[tilespmem:s18+$0x6850] =	vst v2;
	v0 =	vadd.f32 v0, v10  }
0x89: {  	v2 =	vld [tilespmem:s10+$0x19450];
	[tilespmem:s18+$0x6860] =	vst v1  }
0x8a: {  	v1 =	vld [tilespmem:s10+$0x19460];
	[tilespmem:s18+$0x6870] =	vst v0;
	s18 =	smov.u32 s10  }
0x8b: {  	v0 =	vld [tilespmem:s18+$0x19470]  }
0x8c: {  	v6 =	vld [tilespmem:s18+$0x6800]  }
0x8d: {  	v7 =	vld [tilespmem:s18+$0x6810]  }
.Ltmp1:
0x8e: {  	v10 =	vld [tilespmem:s18+$0x6820];
	(pc) =	sbr.rel @p1 .LBB2_5-.Ltmp1, $4  }
0x8f: {  	v9 =	vld [tilespmem:s18+$0x6830]  }
0x90: {  	v8 =	vld [tilespmem:s18+$0x6840]  }
0x91: {  	v12 =	vadd.f32 v12, v6;
	v6 =	vld [tilespmem:s18+$0x6850]  }
0x92: {  	s21 =	sadd.s32 $0x200, s21;
	v11 =	vadd.f32 v11, v7;
	v7 =	vld [tilespmem:s18+$0x6860]  }
0x93: {  	[tilespmem:s18+$0x6800] =	vst v12;
	v5 =	vadd.f32 v5, v10;
	v10 =	vld [tilespmem:s18+$0x6870]  }
0x94: {  	[tilespmem:s18+$0x6810] =	vst v11;
	v4 =	vadd.f32 v4, v9  }
0x95: {  	[tilespmem:s18+$0x6820] =	vst v5;
	v3 =	vadd.f32 v3, v8  }
0x96: {  	[tilespmem:s18+$0x6830] =	vst v4;
	v2 =	vadd.f32 v2, v6  }
0x97: {  	[tilespmem:s18+$0x6840] =	vst v3;
	v1 =	vadd.f32 v1, v7  }
0x98: {  	s10 =	sadd.s32 s13, s22;
	[tilespmem:s18+$0x6850] =	vst v2;
	v0 =	vadd.f32 v0, v10  }
0x99: {  	s10 =	sshll.u32 s10, $0x4;
	[tilespmem:s18+$0x6860] =	vst v1  }
0x9a: {  	s10 =	sadd.s32 s4, s10;
	[tilespmem:s18+$0x6870] =	vst v0  }
0x9b: {  	[hbm4b:s10+s5] =	stream.linear.scatter [tilespmem:s29], [sflag:$0x6], $0x6400, $0x38;
	[tilespmem:$0x1F800] =	vst v63  }
0x9c: {  	s10 =	simm.s32 @!p0 $0x5  }
0x9d: {  	_ =	swait.ge @!p0 [sflag:s10], $0x6400  }
0x9e: {  	[sflag:s10] =	ssyncset.done @!p0 $0x0  }
0x9f: {  	[sflag:s10] =	ssyncadd.s32 @!p0 $0xFFFF9C00;
	s10 =	simm.s32 @!p0 $0x9  }
0xa0: {  	_ =	swait.ge @!p0 [sflag:s10], $0x100  }
0xa1: {  	s21 =	simm.s32 @!p0 $0x400;
	[sflag:s10] =	ssyncset.done @!p0 $0x0  }
0xa2: {  	s18 =	simm.s32 @!p0 $0x0;
	[sflag:s10] =	ssyncadd.s32 @!p0 $0xFFFFFF00;
	s10 =	simm.s32 @!p0 $0x64  }
0xa3: {  	[tilespmem:s21], [sflag:$0x1] =	stream.indirect.gather @!p0 [hbm4b:s1+s10], $0x80, s18, s10, $0xb8;
	[tilespmem:$0x1F800] =	vst v63  }
0xa4: {  	s11 =	simm.s32 @!p0 $0x3600;
	s21 =	simm.s32 @!p0 $0x80  }
0xa5: {  	[tilespmem:s11], [sflag:$0x1] =	stream.indirect.gather @!p0 [hbm4b:s1+s10], $0x80, s21, s10, $0xb8;
	[tilespmem:$0x1F800] =	vst v63  }
0xa6: {  	s10 =	sadd.s32 @!p0 s2, s14  }
0xa7: {  	s10 =	sshrl.u32 @!p0 s10, $0x3  }
0xa8: {  	s11 =	simm.s32 @!p0 $0x100;
	s10 =	sadd.s32 @!p0 s6, s10  }
0xa9: {  	[tilespmem:s11], [sflag:$0xA] =	stream.linear.gather @!p0 [hbm4b:s10+s18], $0x100, $0x38;
	[tilespmem:$0x1F800] =	vst v63  }
0xaa: {  	_ =	swait.ge [sflag:s17], $0x3200  }
0xab: {  	[sflag:s17] =	ssyncset.done $0x0  }
0xac: {  	[sflag:s17] =	ssyncadd.s32 $0xFFFFCE00  }
0xad: {  	_ =	swait.ge [sflag:s17], $0x3200  }
0xae: {  	[sflag:s17] =	ssyncset.done $0x0  }
0xaf: {  	s18 =	simm.s32 $0x0;
	[sflag:s17] =	ssyncadd.s32 $0xFFFFCE00  }
0xb0: {  	v7 =	vld [tilespmem:s18+$0x19400]  }
0xb1: {  	v11 =	vld [tilespmem:s18+$0x19410]  }
0xb2: {  	v5 =	vld [tilespmem:s18+$0x19420]  }
0xb3: {  	v4 =	vld [tilespmem:s18+$0x19430]  }
0xb4: {  	v3 =	vld [tilespmem:s18+$0x19440]  }
0xb5: {  	v2 =	vld [tilespmem:s18+$0x19450]  }
0xb6: {  	v1 =	vld [tilespmem:s18+$0x19460]  }
0xb7: {  	v0 =	vld [tilespmem:s18+$0x19470]  }
0xb8: {  	v12 =	vld [tilespmem:s18+$0xCC00]  }
0xb9: {  	v13 =	vld [tilespmem:s18+$0xCC10]  }
0xba: {  	v10 =	vld [tilespmem:s18+$0xCC20]  }
0xbb: {  	v9 =	vld [tilespmem:s18+$0xCC30]  }
0xbc: {  	v8 =	vld [tilespmem:s18+$0xCC40]  }
0xbd: {  	v6 =	vld [tilespmem:s18+$0xCC50];
	v12 =	vadd.f32 v7, v12  }
0xbe: {  	s21 =	simm.s32 $0x200;
	v11 =	vadd.f32 v11, v13;
	v7 =	vld [tilespmem:s18+$0xCC60]  }
.LBB2_7:
0xbf: {  	s10 =	sshra.s32 s21, $0x2;
	p1 =	sne.s32 s21, $0x18E00;
	[tilespmem:s18+$0xCC00] =	vst v12;
	v5 =	vadd.f32 v5, v10;
	v10 =	vld [tilespmem:s18+$0xCC70]  }
0xc0: {  	v12 =	vld [tilespmem:s10+$0x19400];
	[tilespmem:s18+$0xCC10] =	vst v11;
	v4 =	vadd.f32 v4, v9  }
0xc1: {  	v11 =	vld [tilespmem:s10+$0x19410];
	[tilespmem:s18+$0xCC20] =	vst v5;
	v3 =	vadd.f32 v3, v8  }
0xc2: {  	v5 =	vld [tilespmem:s10+$0x19420];
	[tilespmem:s18+$0xCC30] =	vst v4;
	v2 =	vadd.f32 v2, v6  }
0xc3: {  	v4 =	vld [tilespmem:s10+$0x19430];
	[tilespmem:s18+$0xCC40] =	vst v3;
	v1 =	vadd.f32 v1, v7  }
0xc4: {  	v3 =	vld [tilespmem:s10+$0x19440];
	[tilespmem:s18+$0xCC50] =	vst v2;
	v0 =	vadd.f32 v0, v10  }
0xc5: {  	v2 =	vld [tilespmem:s10+$0x19450];
	[tilespmem:s18+$0xCC60] =	vst v1  }
0xc6: {  	v1 =	vld [tilespmem:s10+$0x19460];
	[tilespmem:s18+$0xCC70] =	vst v0;
	s18 =	smov.u32 s10  }
0xc7: {  	v0 =	vld [tilespmem:s18+$0x19470]  }
0xc8: {  	v6 =	vld [tilespmem:s18+$0xCC00]  }
0xc9: {  	v7 =	vld [tilespmem:s18+$0xCC10]  }
.Ltmp2:
0xca: {  	v10 =	vld [tilespmem:s18+$0xCC20];
	(pc) =	sbr.rel @p1 .LBB2_7-.Ltmp2, $4  }
0xcb: {  	v9 =	vld [tilespmem:s18+$0xCC30]  }
0xcc: {  	v8 =	vld [tilespmem:s18+$0xCC40]  }
0xcd: {  	v12 =	vadd.f32 v12, v6;
	v6 =	vld [tilespmem:s18+$0xCC50]  }
0xce: {  	s21 =	sadd.s32 $0x200, s21;
	v11 =	vadd.f32 v11, v7;
	v7 =	vld [tilespmem:s18+$0xCC60]  }
0xcf: {  	[tilespmem:s18+$0xCC00] =	vst v12;
	v5 =	vadd.f32 v5, v10;
	v10 =	vld [tilespmem:s18+$0xCC70]  }
0xd0: {  	[tilespmem:s18+$0xCC10] =	vst v11;
	v4 =	vadd.f32 v4, v9  }
0xd1: {  	[tilespmem:s18+$0xCC20] =	vst v5;
	v3 =	vadd.f32 v3, v8  }
0xd2: {  	[tilespmem:s18+$0xCC30] =	vst v4;
	v2 =	vadd.f32 v2, v6  }
0xd3: {  	[tilespmem:s18+$0xCC40] =	vst v3;
	v1 =	vadd.f32 v1, v7  }
0xd4: {  	s10 =	sadd.s32 s15, s22;
	[tilespmem:s18+$0xCC50] =	vst v2;
	v0 =	vadd.f32 v0, v10  }
0xd5: {  	s10 =	sshll.u32 s10, $0x4;
	[tilespmem:s18+$0xCC60] =	vst v1  }
0xd6: {  	s10 =	sadd.s32 s4, s10;
	[tilespmem:s18+$0xCC70] =	vst v0  }
0xd7: {  	[hbm4b:s10+s5] =	stream.linear.scatter [tilespmem:s3], [sflag:$0x7], $0x6400, $0x38;
	[tilespmem:$0x1F800] =	vst v63  }
0xd8: {  	s10 =	simm.s32 @!p0 $0x6  }
0xd9: {  	_ =	swait.ge @!p0 [sflag:s10], $0x6400  }
0xda: {  	[sflag:s10] =	ssyncset.done @!p0 $0x0  }
0xdb: {  	[sflag:s10] =	ssyncadd.s32 @!p0 $0xFFFF9C00;
	s10 =	simm.s32 @!p0 $0xA  }
0xdc: {  	_ =	swait.ge @!p0 [sflag:s10], $0x100  }
0xdd: {  	s11 =	simm.s32 @!p0 $0x100;
	s2 =	sadd.s32 @!p0 s2, s16;
	[sflag:s10] =	ssyncset.done @!p0 $0x0  }
0xde: {  	s18 =	simm.s32 @!p0 $0x6800;
	[sflag:s10] =	ssyncadd.s32 @!p0 $0xFFFFFF00;
	s10 =	simm.s32 @!p0 $0x64  }
0xdf: {  	[tilespmem:s18], [sflag:$0x2] =	stream.indirect.gather @!p0 [hbm4b:s1+s10], $0x80, s11, s10, $0xb8;
	[tilespmem:$0x1F800] =	vst v63  }
0xe0: {  	s2 =	sshrl.u32 @!p0 s2, $0x3;
	s11 =	simm.s32 @!p0 $0x180;
	s18 =	simm.s32 @!p0 $0x9A00  }
0xe1: {  	[tilespmem:s18], [sflag:$0x2] =	stream.indirect.gather @!p0 [hbm4b:s1+s10], $0x80, s11, s10, $0xb8;
	[tilespmem:$0x1F800] =	vst v63  }
0xe2: {  	s2 =	sadd.s32 @!p0 s6, s2;
	s10 =	simm.s32 @!p0 $0x0;
	s11 =	simm.s32 @!p0 $0x200  }
0xe3: {  	[tilespmem:s11], [sflag:$0xB] =	stream.linear.gather @!p0 [hbm4b:s2+s10], $0x100, $0x38;
	[tilespmem:$0x1F800] =	vst v63  }
0xe4: {  	_ =	swait.ge [sflag:s8], $0x3200  }
0xe5: {  	[sflag:s8] =	ssyncset.done $0x0  }
0xe6: {  	[sflag:s8] =	ssyncadd.s32 $0xFFFFCE00  }
0xe7: {  	_ =	swait.ge [sflag:s8], $0x3200  }
0xe8: {  	[sflag:s8] =	ssyncset.done $0x0  }
0xe9: {  	s2 =	simm.s32 $0x0;
	[sflag:s8] =	ssyncadd.s32 $0xFFFFCE00  }
0xea: {  	v6 =	vld [tilespmem:s2+$0x19400]  }
0xeb: {  	v11 =	vld [tilespmem:s2+$0x19410]  }
0xec: {  	v5 =	vld [tilespmem:s2+$0x19420]  }
0xed: {  	v4 =	vld [tilespmem:s2+$0x19430]  }
0xee: {  	v3 =	vld [tilespmem:s2+$0x19440]  }
0xef: {  	v2 =	vld [tilespmem:s2+$0x19450]  }
0xf0: {  	v1 =	vld [tilespmem:s2+$0x19460]  }
0xf1: {  	v0 =	vld [tilespmem:s2+$0x19470]  }
0xf2: {  	v12 =	vld [tilespmem:s2+$0x13000]  }
0xf3: {  	v13 =	vld [tilespmem:s2+$0x13010]  }
0xf4: {  	v10 =	vld [tilespmem:s2+$0x13020]  }
0xf5: {  	v9 =	vld [tilespmem:s2+$0x13030]  }
0xf6: {  	v8 =	vld [tilespmem:s2+$0x13040]  }
0xf7: {  	v7 =	vld [tilespmem:s2+$0x13050];
	v12 =	vadd.f32 v6, v12  }
0xf8: {  	s18 =	simm.s32 $0x200;
	v11 =	vadd.f32 v11, v13;
	v6 =	vld [tilespmem:s2+$0x13060]  }
.LBB2_9:
0xf9: {  	s10 =	sshra.s32 s18, $0x2;
	p0 =	sne.s32 s18, $0x18E00;
	[tilespmem:s2+$0x13000] =	vst v12;
	v5 =	vadd.f32 v5, v10;
	v10 =	vld [tilespmem:s2+$0x13070]  }
0xfa: {  	v12 =	vld [tilespmem:s10+$0x19400];
	[tilespmem:s2+$0x13010] =	vst v11;
	v4 =	vadd.f32 v4, v9  }
0xfb: {  	v11 =	vld [tilespmem:s10+$0x19410];
	[tilespmem:s2+$0x13020] =	vst v5;
	v3 =	vadd.f32 v3, v8  }
0xfc: {  	v5 =	vld [tilespmem:s10+$0x19420];
	[tilespmem:s2+$0x13030] =	vst v4;
	v2 =	vadd.f32 v2, v7  }
0xfd: {  	v4 =	vld [tilespmem:s10+$0x19430];
	[tilespmem:s2+$0x13040] =	vst v3;
	v1 =	vadd.f32 v1, v6  }
0xfe: {  	v3 =	vld [tilespmem:s10+$0x19440];
	[tilespmem:s2+$0x13050] =	vst v2;
	v0 =	vadd.f32 v0, v10  }
0xff: {  	v2 =	vld [tilespmem:s10+$0x19450];
	[tilespmem:s2+$0x13060] =	vst v1  }
0x100: {  	v1 =	vld [tilespmem:s10+$0x19460];
	[tilespmem:s2+$0x13070] =	vst v0;
	s2 =	smov.u32 s10  }
0x101: {  	v0 =	vld [tilespmem:s2+$0x19470]  }
0x102: {  	v6 =	vld [tilespmem:s2+$0x13000]  }
0x103: {  	v13 =	vld [tilespmem:s2+$0x13010]  }
.Ltmp3:
0x104: {  	v10 =	vld [tilespmem:s2+$0x13020];
	(pc) =	sbr.rel @p0 .LBB2_9-.Ltmp3, $4  }
0x105: {  	v9 =	vld [tilespmem:s2+$0x13030]  }
0x106: {  	v8 =	vld [tilespmem:s2+$0x13040]  }
0x107: {  	v12 =	vadd.f32 v12, v6;
	v7 =	vld [tilespmem:s2+$0x13050]  }
0x108: {  	s18 =	sadd.s32 $0x200, s18;
	v11 =	vadd.f32 v11, v13;
	v6 =	vld [tilespmem:s2+$0x13060]  }
0x109: {  	[tilespmem:s2+$0x13000] =	vst v12;
	v5 =	vadd.f32 v5, v10;
	v63 =	vld [tilespmem:s2+$0x13070]  }
0x10a: {  	[tilespmem:s2+$0x13010] =	vst v11;
	v4 =	vadd.f32 v4, v9  }
0x10b: {  	s28 =	sadd.s32 $0x1, s28;
	[tilespmem:s2+$0x13020] =	vst v5;
	v3 =	vadd.f32 v3, v8  }
0x10c: {  	s10 =	smul.u32 $0xC8, s19;
	p0 =	sne.s32 s28, $0x20;
	[tilespmem:s2+$0x13030] =	vst v4;
	v2 =	vadd.f32 v2, v7  }
.Ltmp4:
0x10d: {  	[tilespmem:s2+$0x13040] =	vst v3;
	v1 =	vadd.f32 v1, v6;
	(pc) =	sbr.rel @p0 .LBB2_2-.Ltmp4, $4  }
0x10e: {  	s10 =	sadd.s32 s9, s10;
	[tilespmem:s2+$0x13050] =	vst v2;
	v0 =	vadd.f32 v0, v63  }
0x10f: {  	s10 =	sshll.u32 s10, $0x4;
	[tilespmem:s2+$0x13060] =	vst v1  }
0x110: {  	s22 =	sadd.s32 s4, s10;
	[tilespmem:s2+$0x13070] =	vst v0  }
0x111: {  	[hbm4b:s22+s5] =	stream.linear.scatter [tilespmem:s31], [sflag:$0x8], $0x6400, $0x38;
	[tilespmem:$0x1F800] =	vst v63  }
0x112: {  	s2 =	simm.s32 $0x5  }
0x113: {  	_ =	swait.ge [sflag:s2], $0x6400  }
0x114: {  	[sflag:s2] =	ssyncset.done $0x0  }
0x115: {  	s21 =	simm.s32 $0x6;
	[sflag:s2] =	ssyncadd.s32 $0xFFFF9C00  }
0x116: {  	_ =	swait.ge [sflag:s21], $0x6400  }
0x117: {  	[sflag:s21] =	ssyncset.done $0x0  }
0x118: {  	s22 =	simm.s32 $0x7;
	[sflag:s21] =	ssyncadd.s32 $0xFFFF9C00  }
0x119: {  	_ =	swait.ge [sflag:s22], $0x6400  }
0x11a: {  	[sflag:s22] =	ssyncset.done $0x0  }
0x11b: {  	s10 =	simm.s32 $0x8;
	[sflag:s22] =	ssyncadd.s32 $0xFFFF9C00  }
0x11c: {  	_ =	swait.ge [sflag:s10], $0x6400  }
0x11d: {  	s11 =	rddreg [dreg:$0x9]  }
0x11e: {  	s28 =	rddreg [dreg:$0x8];
	s11 =	sadd.s32 $0x1, s11  }
0x11f: {  	p0 =	sne.s32 s11, s28  }
.Ltmp5:
0x120: {  	_ = 	snop;
	(pc) =	sbr.rel @p0 .LBB2_1-.Ltmp5, $3  }
0x121: {  	_ =	sdelay $0x1  }
0x122: {  	[sflag:s10] =	ssyncset.done $0x0  }
0x123: {  	[sflag:s10] =	ssyncadd.s32 $0xFFFF9C00  }
0x124: {  	_ =	sfence.sel $0x180000  }
0x125: {  	[bflag:$0x0] =	sbarrier.arrive $0xFFFF  }
0x126: {  	_ =	strace $0x90000047  }
0x127: {  	s0 =	stileid.u32;
	[bflag:$0x2] =	sbarrier.arrive $0xFFFF  }
0x128: {  	p0 =	sne.s32 s0, $0x0;
	s0 =	rddreg [dreg:$0x4]  }
0x129: {  	s0 =	sadd.s32 @!p0 $0x100000, s0  }
0x12a: {  	[sflag:s0] =	ssyncadd.tile.s32 @!p0 $0x1;
	_ =	shalt  }
.Lfunc_end2:
_tile_overlayer_lowered:
.L_overlay_start_2:
0x12b: {  	(tag) =	ssettag $0x2  }
0x12c: {  	s0 =	rddreg [dreg:$0x0];
	s2 =	stileid.u32  }
0x12d: {  	s1 =	rddreg [dreg:$0x1];
	p0 =	sne.s32 s2, $0x0  }
0x12e: {  	s3 =	rddreg [dreg:$0x2];
	[bflag:$0x3] =	sbarrier.arrive $0xFFFF;
	s2 =	simm.s32 @!p0 $0x1C0D  }
0x12f: {  	[timem:s3], [sflag:s2] =	dma.local @!p0 [hbm:s0], s1  }
0x130: {  	s0 =	simm.s32 @!p0 $0xD  }
0x131: {  	_ =	swait.ge @!p0 [sflag:s0], s1  }
0x132: {  	s1 =	ssub.s32 @!p0 $0x0, s1;
	[sflag:s0] =	ssyncset.done @!p0 $0x0  }
0x133: {  	[sflag:s0] =	ssyncadd.s32 @!p0 s1  }
0x134: {  	[bflag:$0x3] =	sbarrier.arrive $0xFFFF  }
0x135: {  	_ =	shalt  }

</sc_bundles>
